<compile_context>
chip_gen: v7x
topology: tpu7x:2x2x1
jax: 0.10.2.dev20260603
libtpu: 0.0.44.dev20260713+nightly
codegen_flags: <defaults>
</compile_context>

<pallas_src>
import jax
import jax.numpy as jnp
from jax import lax
from jax.experimental import pallas as pl
from jax.experimental.pallas import tpu as pltpu
from jax.experimental.pallas import tpu_sc as plsc

_D = 32
_NN = 16
_B = 4096
_NR = 32
_NU = 100000
_NC = 2
_NS = 16
_NW = _NC * _NS
_PPW = _B // _NW
_SUB = 16
_PPS = _PPW // _SUB
_H1S = _PPS * _NN
_H2S = _H1S * _NN
_H1W = _PPW * _NN
_HH = _H1S // 2


def _sc_body(users_h, items_h, adj_e_h, adj_r_h, ent_h, usr_h, ur_h,
             urows_o, e0_o, adjr0_o, e1_o, m1_o,
             users_v, items_v, urow_v, e0_v, adje0_v, adjr0_v, ur_v,
             idx1_v, e1_v, adje1_v, adjr1_v, idx2_v, e2_v, m1_v, w_v, sem):
    wid = lax.axis_index("s") * _NC + lax.axis_index("c")
    pbase = wid * _PPW

    pltpu.sync_copy(users_h.at[pl.ds(pbase, _PPW)], users_v)
    pltpu.sync_copy(items_h.at[pl.ds(pbase, _PPW)], items_v)
    cu = pltpu.async_copy(usr_h.at[users_v], urow_v, sem)
    cg = pltpu.async_copy(ur_h.at[users_v], ur_v, sem)
    ce = pltpu.async_copy(ent_h.at[items_v], e0_v, sem)
    ca = pltpu.async_copy(adj_e_h.at[items_v], adje0_v, sem)
    cr = pltpu.async_copy(adj_r_h.at[items_v], adjr0_v, sem)
    cu.wait()
    cg.wait()
    ce.wait()
    ca.wait()
    cr.wait()
    pltpu.sync_copy(urow_v, urows_o.at[pl.ds(pbase, _PPW)])
    pltpu.sync_copy(e0_v, e0_o.at[pl.ds(pbase, _PPW)])
    pltpu.sync_copy(adjr0_v, adjr0_o.at[pl.ds(pbase, _PPW)])

    def _flat1(t, c):
        idx1_v[pl.ds(t * _NN, _NN)] = adje0_v[t, :]
        return c
    lax.fori_loop(0, _PPW, _flat1, 0)

    def _reduce_half(s, jlo):
        def _j(j, c):
            p_loc = s * _PPS + (j >> 4)
            r_ids = adjr1_v[j, :]
            pvec = jnp.full((16,), 0, jnp.int32) + p_loc
            sc = plsc.load_gather(ur_v, [pvec, r_ids])
            mx = jnp.max(sc)
            ex = jnp.exp(sc - mx)
            w = ex / jnp.sum(ex)
            w_v[...] = w
            acc_lo = jnp.zeros((16,), jnp.float32)
            acc_hi = jnp.zeros((16,), jnp.float32)
            for k in range(_NN):
                kvec = jnp.full((16,), k, jnp.int32)
                wk = plsc.load_gather(w_v, [kvec])
                row = j * _NN + k
                acc_lo = acc_lo + wk * e2_v[row, pl.ds(0, 16)]
                acc_hi = acc_hi + wk * e2_v[row, pl.ds(16, 16)]
            m1_v[j, pl.ds(0, 16)] = acc_lo
            m1_v[j, pl.ds(16, 16)] = acc_hi
            return c
        lax.fori_loop(jlo, jlo + _HH, _j, 0)

    def _sub(s, c):
        h1base = pbase * _NN + s * _H1S
        idxa = idx1_v.at[pl.ds(s * _H1S, _HH)]
        idxb = idx1_v.at[pl.ds(s * _H1S + _HH, _HH)]
        a1 = pltpu.async_copy(ent_h.at[idxa], e1_v.at[pl.ds(0, _HH)], sem)
        a2 = pltpu.async_copy(adj_e_h.at[idxa], adje1_v.at[pl.ds(0, _HH)], sem)
        a3 = pltpu.async_copy(adj_r_h.at[idxa], adjr1_v.at[pl.ds(0, _HH)], sem)
        b1 = pltpu.async_copy(ent_h.at[idxb], e1_v.at[pl.ds(_HH, _HH)], sem)
        b2 = pltpu.async_copy(adj_e_h.at[idxb], adje1_v.at[pl.ds(_HH, _HH)], sem)
        b3 = pltpu.async_copy(adj_r_h.at[idxb], adjr1_v.at[pl.ds(_HH, _HH)], sem)
        a2.wait()

        def _flat2a(t, cc):
            idx2_v[pl.ds(t * _NN, _NN)] = adje1_v[t, :]
            return cc
        lax.fori_loop(0, _HH, _flat2a, 0)
        e2a = pltpu.async_copy(ent_h.at[idx2_v.at[pl.ds(0, _HH * _NN)]],
                               e2_v.at[pl.ds(0, _HH * _NN)], sem)
        b2.wait()

        def _flat2b(t, cc):
            idx2_v[pl.ds(t * _NN, _NN)] = adje1_v[t, :]
            return cc
        lax.fori_loop(_HH, _H1S, _flat2b, 0)
        e2b = pltpu.async_copy(ent_h.at[idx2_v.at[pl.ds(_HH * _NN, _HH * _NN)]],
                               e2_v.at[pl.ds(_HH * _NN, _HH * _NN)], sem)
        a1.wait()
        a3.wait()
        b1.wait()
        b3.wait()
        pltpu.sync_copy(e1_v, e1_o.at[pl.ds(h1base, _H1S)])
        e2a.wait()
        _reduce_half(s, 0)
        e2b.wait()
        _reduce_half(s, _HH)
        pltpu.sync_copy(m1_v, m1_o.at[pl.ds(h1base, _H1S)])
        return c
    lax.fori_loop(0, _SUB, _sub, 0)


_sc_gather = pl.kernel(
    _sc_body,
    out_type=[
        jax.ShapeDtypeStruct((_B, _D), jnp.float32),
        jax.ShapeDtypeStruct((_B, _D), jnp.float32),
        jax.ShapeDtypeStruct((_B, _NN), jnp.int32),
        jax.ShapeDtypeStruct((_B * _NN, _D), jnp.float32),
        jax.ShapeDtypeStruct((_B * _NN, _D), jnp.float32),
    ],
    mesh=plsc.VectorSubcoreMesh(core_axis_name="c", subcore_axis_name="s"),
    compiler_params=pltpu.CompilerParams(use_tc_tiling_on_sc=False,
                                         needs_layout_passes=False),
    scratch_types=[
        pltpu.VMEM((_PPW,), jnp.int32),
        pltpu.VMEM((_PPW,), jnp.int32),
        pltpu.VMEM((_PPW, _D), jnp.float32),
        pltpu.VMEM((_PPW, _D), jnp.float32),
        pltpu.VMEM((_PPW, _NN), jnp.int32),
        pltpu.VMEM((_PPW, _NN), jnp.int32),
        pltpu.VMEM((_PPW, _NR), jnp.float32),
        pltpu.VMEM((_H1W,), jnp.int32),
        pltpu.VMEM((_H1S, _D), jnp.float32),
        pltpu.VMEM((_H1S, _NN), jnp.int32),
        pltpu.VMEM((_H1S, _NN), jnp.int32),
        pltpu.VMEM((_H2S,), jnp.int32),
        pltpu.VMEM((_H2S, _D), jnp.float32),
        pltpu.VMEM((_H1S, _D), jnp.float32),
        pltpu.VMEM((16,), jnp.float32),
        pltpu.SemaphoreType.DMA,
    ],
)

_URB = 4000


def _ur_body(u_ref, rel_ref, out_ref):
    out_ref[...] = lax.dot_general(u_ref[...], rel_ref[...],
                                   (((1,), (1,)), ((), ())),
                                   preferred_element_type=jnp.float32)


def _ur_call(user_emb, rel):
    return pl.pallas_call(
        _ur_body,
        grid=(_NU // _URB,),
        in_specs=[
            pl.BlockSpec((_URB, _D), lambda i: (i, 0)),
            pl.BlockSpec((_NR, _D), lambda i: (0, 0)),
        ],
        out_specs=pl.BlockSpec((_URB, _NR), lambda i: (i, 0)),
        out_shape=jax.ShapeDtypeStruct((_NU, _NR), jnp.float32),
    )(user_emb, rel)


_P = 512
_G = _B // _P


def _tc_body(u_ref, e0_ref, r0_ref, e1_ref, m1_ref,
             rel_ref, ww_ref, wb_ref, out_ref):
    u = u_ref[...]
    rel = rel_ref[...]
    ww = ww_ref[...]
    wb = wb_ref[...]
    ur = lax.dot_general(u, rel, (((1,), (1,)), ((), ())),
                         preferred_element_type=jnp.float32)

    r0 = r0_ref[...]
    s0 = jnp.zeros((_P, _NN), jnp.float32)
    for r in range(_NR):
        s0 = s0 + jnp.where(r0 == r, ur[:, r:r + 1], 0.0)
    w0 = jnp.exp(s0 - jnp.max(s0, axis=-1, keepdims=True))
    w0 = w0 / jnp.sum(w0, axis=-1, keepdims=True)

    e1 = e1_ref[...]
    m1 = m1_ref[...]
    h1 = jnp.maximum(
        lax.dot_general(e1 + m1, ww, (((1,), (1,)), ((), ())),
                        preferred_element_type=jnp.float32) + wb, 0.0)

    m0 = jnp.sum(w0[:, :, None] * e1.reshape(_P, _NN, _D), axis=1)
    e0 = e0_ref[...]
    h0 = jnp.maximum(
        lax.dot_general(e0 + m0, ww, (((1,), (1,)), ((), ())),
                        preferred_element_type=jnp.float32) + wb, 0.0)

    mo = jnp.sum(w0[:, :, None] * h1.reshape(_P, _NN, _D), axis=1)
    o = jnp.tanh(
        lax.dot_general(h0 + mo, ww, (((1,), (1,)), ((), ())),
                        preferred_element_type=jnp.float32) + wb)
    pred = jnp.sum(u * o, axis=1)
    out_ref[...] = jax.nn.sigmoid(pred).reshape(1, 1, _P)


def _tc_call(urows, e0, adjr0, e1, m1, rel, ww, wb2):
    return pl.pallas_call(
        _tc_body,
        grid=(_G,),
        in_specs=[
            pl.BlockSpec((_P, _D), lambda i: (i, 0)),
            pl.BlockSpec((_P, _D), lambda i: (i, 0)),
            pl.BlockSpec((_P, _NN), lambda i: (i, 0)),
            pl.BlockSpec((_P * _NN, _D), lambda i: (i, 0)),
            pl.BlockSpec((_P * _NN, _D), lambda i: (i, 0)),
            pl.BlockSpec((_NR, _D), lambda i: (0, 0)),
            pl.BlockSpec((_D, _D), lambda i: (0, 0)),
            pl.BlockSpec((1, _D), lambda i: (0, 0)),
        ],
        out_specs=pl.BlockSpec((1, 1, _P), lambda i: (i, 0, 0)),
        out_shape=jax.ShapeDtypeStruct((_G, 1, _P), jnp.float32),
    )(urows, e0, adjr0, e1, m1, rel, ww, wb2)


def kernel(pairs, adj_entity_np, adj_relation_np, entity_emb, relation_emb,
           user_emb, W_w, W_b):
    users = pairs[:, 0].astype(jnp.int32)
    items = pairs[:, 1].astype(jnp.int32)
    ur_all = _ur_call(user_emb, relation_emb)
    urows, e0, adjr0, e1, m1 = _sc_gather(
        users, items, adj_entity_np.astype(jnp.int32),
        adj_relation_np.astype(jnp.int32), entity_emb, user_emb, ur_all)
    out = _tc_call(urows, e0, adjr0, e1, m1,
                   relation_emb, W_w, W_b.reshape(1, _D))
    return out.reshape(_B)

# --- scband reference (transcript-rebuilt; emitter-appended) ---
"""Pipeline reference for scband-kgcn-78520592105834 (READ-ONLY COPY).

The authoritative reference and input builder live on the scoring server;
editing this copy changes nothing except your own understanding.
"""

import jax, jax.numpy as jnp
import numpy as np

N_ENTITY = 1000000
N_USER = 100000
N_RELATION = 32
DIM = 32
N_ITER = 2
N_NEIGH = 16
BATCH = 4096


def setup_inputs(seed: int = 0) -> dict:
    key = jax.random.key(seed)
    ks = jax.random.split(key, 8)
    pairs = jax.random.randint(ks[0], (BATCH, 2), 0, N_USER)
    adj_entity_np = jax.random.randint(ks[1], (N_ENTITY, N_NEIGH), 0, N_ENTITY)
    adj_relation_np = jax.random.randint(ks[2], (N_ENTITY, N_NEIGH), 0, N_RELATION)
    be = float(np.sqrt(6.0 / (N_ENTITY + DIM)))
    entity_emb = jax.random.uniform(ks[3], (N_ENTITY, DIM), minval=-be, maxval=be, dtype=jnp.float32)
    br = float(np.sqrt(6.0 / (N_RELATION + DIM)))
    relation_emb = jax.random.uniform(ks[4], (N_RELATION, DIM), minval=-br, maxval=br, dtype=jnp.float32)
    bu = float(np.sqrt(6.0 / (N_USER + DIM)))
    user_emb = jax.random.uniform(ks[5], (N_USER, DIM), minval=-bu, maxval=bu, dtype=jnp.float32)
    bw = float(np.sqrt(1.0 / DIM))
    W_w = jax.random.uniform(ks[6], (DIM, DIM), minval=-bw, maxval=bw, dtype=jnp.float32)
    W_b = jax.random.uniform(ks[7], (DIM,), minval=-bw, maxval=bw, dtype=jnp.float32)
    return {"pairs": pairs, "adj_entity_np": adj_entity_np, "adj_relation_np": adj_relation_np,
            "entity_emb": entity_emb, "relation_emb": relation_emb, "user_emb": user_emb,
            "W_w": W_w, "W_b": W_b}


def _get_neighbors(seeds, adj_entity, adj_relation):
    entities = [seeds]
    relations = []
    for i in range(N_ITER):
        entities.append(jnp.take(adj_entity, entities[i], axis=0).reshape(-1))
        relations.append(jnp.take(adj_relation, entities[i], axis=0).reshape(-1))
    return entities, relations


def _gcn_layer(user_embeddings, entity_vectors, relation_vectors, l, W_w, W_b):
    n = user_embeddings.shape[0]
    next_entity_vectors = []
    for i in range(N_ITER - l):
        rv = relation_vectors[i].reshape(n, -1, N_NEIGH, DIM)
        relation_scores = (user_embeddings.reshape(n, 1, 1, DIM) * rv).sum(axis=-1)
        relation_scores = relation_scores.reshape(n, -1, N_NEIGH, 1)
        normalize_relation_scores = jax.nn.softmax(relation_scores, axis=-2)
        neighbor_embeddings = (normalize_relation_scores * entity_vectors[i + 1].reshape(n, -1, N_NEIGH, DIM)).sum(axis=-2)
        entity_and_neighbors = entity_vectors[i].reshape(n, -1, DIM) + neighbor_embeddings
        h = entity_and_neighbors @ W_w.T + W_b
        if l == N_ITER - 1:
            next_entity_vectors.append(jnp.tanh(h))
        else:
            next_entity_vectors.append(jax.nn.relu(h))
    return next_entity_vectors


def reference(pairs, adj_entity_np, adj_relation_np, entity_emb, relation_emb, user_emb, W_w, W_b):
    users = pairs[:, 0]
    items = pairs[:, 1]
    entities, relations = _get_neighbors(items, adj_entity_np, adj_relation_np)
    user_embeddings = jnp.take(user_emb, users, axis=0)
    n = pairs.shape[0]
    entity_vectors = [jnp.take(entity_emb, entities[i], axis=0).reshape(n, -1, DIM) for i in range(len(entities))]
    relation_vectors = [jnp.take(relation_emb, relations[i], axis=0).reshape(n, -1, DIM) for i in range(len(relations))]
    for l in range(N_ITER):
        entity_vectors = _gcn_layer(user_embeddings, entity_vectors, relation_vectors, l, W_w, W_b)
    item_embeddings = entity_vectors[0].reshape(-1, DIM)
    predict = (user_embeddings * item_embeddings).sum(axis=1)
    return jax.nn.sigmoid(predict)

if __name__ == "__main__":
    import jax
    _d = setup_inputs()
    print(jax.jit(kernel)(*tuple(_d.values())))

</pallas_src>

<mosaic_0001>
#map = affine_map<(d0, d1) -> (0)>
#map1 = affine_map<(d0, d1) -> (0, 0)>
module attributes {stable_mosaic.version = 14 : i64} {
  func.func @_sc_body(%arg0: i32, %arg1: i32, %arg2: memref<4096xi32, #tpu.memory_space<hbm>>, %arg3: memref<4096xi32, #tpu.memory_space<hbm>>, %arg4: memref<1000000x16xi32, #tpu.memory_space<hbm>>, %arg5: memref<1000000x16xi32, #tpu.memory_space<hbm>>, %arg6: memref<1000000x32xf32, #tpu.memory_space<hbm>>, %arg7: memref<100000x32xf32, #tpu.memory_space<hbm>>, %arg8: memref<100000x32xf32, #tpu.memory_space<hbm>>, %arg9: memref<4096x32xf32, #tpu.memory_space<hbm>>, %arg10: memref<4096x32xf32, #tpu.memory_space<hbm>>, %arg11: memref<4096x16xi32, #tpu.memory_space<hbm>>, %arg12: memref<65536x32xf32, #tpu.memory_space<hbm>>, %arg13: memref<65536x32xf32, #tpu.memory_space<hbm>>, %arg14: memref<128xi32, #tpu.memory_space<vmem>>, %arg15: memref<128xi32, #tpu.memory_space<vmem>>, %arg16: memref<128x32xf32, #tpu.memory_space<vmem>>, %arg17: memref<128x32xf32, #tpu.memory_space<vmem>>, %arg18: memref<128x16xi32, #tpu.memory_space<vmem>>, %arg19: memref<128x16xi32, #tpu.memory_space<vmem>>, %arg20: memref<128x32xf32, #tpu.memory_space<vmem>>, %arg21: memref<2048xi32, #tpu.memory_space<vmem>>, %arg22: memref<128x32xf32, #tpu.memory_space<vmem>>, %arg23: memref<128x16xi32, #tpu.memory_space<vmem>>, %arg24: memref<128x16xi32, #tpu.memory_space<vmem>>, %arg25: memref<2048xi32, #tpu.memory_space<vmem>>, %arg26: memref<2048x32xf32, #tpu.memory_space<vmem>>, %arg27: memref<128x32xf32, #tpu.memory_space<vmem>>, %arg28: memref<16xf32, #tpu.memory_space<vmem>>, %arg29: memref<!tpu.dma_semaphore, #tpu.memory_space<semaphore_mem>>) attributes {dimension_semantics = [#tpu.dimension_semantics<core_parallel>, #tpu.dimension_semantics<subcore_parallel>], iteration_bounds = array<i64: 2, 16>, scalar_prefetch = 0 : i64, scratch_operands = 16 : i64, tpu.core_type = #tpu.core_type<sc_vector_subcore>, window_params = [{transform_indices = #map}, {transform_indices = #map}, {transform_indices = #map1}, {transform_indices = #map1}, {transform_indices = #map1}, {transform_indices = #map1}, {transform_indices = #map1}, {transform_indices = #map1}, {transform_indices = #map1}, {transform_indices = #map1}, {transform_indices = #map1}, {transform_indices = #map1}]} {
    %mul3A = arith.constant 2 : i32
    %mul3A_0 = arith.muli %arg1, %mul3A : i32
    %add3A = arith.addi %mul3A_0, %arg0 : i32
    %mul3A_1 = arith.constant 128 : i32
    %mul3A_2 = arith.muli %add3A, %mul3A_1 : i32
    "tpu.region"() ({
      %run_scoped3A = tpu.sem_alloc : memref<!tpu.dma_semaphore, #tpu.memory_space<semaphore_mem>>
      %dma_start3A_42 = tpu.memref_slice %arg2[%mul3A_2] : memref<4096xi32, #tpu.memory_space<hbm>> -> memref<128xi32, #tpu.memory_space<hbm>>
      %dma_start3A_43 = tpu.memref_slice %arg2[%mul3A_2] : memref<4096xi32, #tpu.memory_space<hbm>> -> memref<128xi32, #tpu.memory_space<hbm>>
      tpu.enqueue_dma source(%dma_start3A_43 : memref<128xi32, #tpu.memory_space<hbm>>) target(%arg14 : memref<128xi32, #tpu.memory_space<vmem>>) target_semaphore(%run_scoped3A : memref<!tpu.dma_semaphore, #tpu.memory_space<semaphore_mem>>)
      %dma_wait3A_44 = tpu.memref_slice %arg2[%mul3A_2] : memref<4096xi32, #tpu.memory_space<hbm>> -> memref<128xi32, #tpu.memory_space<hbm>>
      %dma_wait3A_45 = tpu.memref_slice %arg2[%mul3A_2] : memref<4096xi32, #tpu.memory_space<hbm>> -> memref<128xi32, #tpu.memory_space<hbm>>
      tpu.wait_dma2 semaphore(%run_scoped3A : memref<!tpu.dma_semaphore, #tpu.memory_space<semaphore_mem>>) src(%dma_wait3A_45 : memref<128xi32, #tpu.memory_space<hbm>>) dst(%arg14 : memref<128xi32, #tpu.memory_space<vmem>>)
      tpu.yield
    }) : () -> ()
    "tpu.region"() ({
      %run_scoped3A = tpu.sem_alloc : memref<!tpu.dma_semaphore, #tpu.memory_space<semaphore_mem>>
      %dma_start3A_42 = tpu.memref_slice %arg3[%mul3A_2] : memref<4096xi32, #tpu.memory_space<hbm>> -> memref<128xi32, #tpu.memory_space<hbm>>
      %dma_start3A_43 = tpu.memref_slice %arg3[%mul3A_2] : memref<4096xi32, #tpu.memory_space<hbm>> -> memref<128xi32, #tpu.memory_space<hbm>>
      tpu.enqueue_dma source(%dma_start3A_43 : memref<128xi32, #tpu.memory_space<hbm>>) target(%arg15 : memref<128xi32, #tpu.memory_space<vmem>>) target_semaphore(%run_scoped3A : memref<!tpu.dma_semaphore, #tpu.memory_space<semaphore_mem>>)
      %dma_wait3A_44 = tpu.memref_slice %arg3[%mul3A_2] : memref<4096xi32, #tpu.memory_space<hbm>> -> memref<128xi32, #tpu.memory_space<hbm>>
      %dma_wait3A_45 = tpu.memref_slice %arg3[%mul3A_2] : memref<4096xi32, #tpu.memory_space<hbm>> -> memref<128xi32, #tpu.memory_space<hbm>>
      tpu.wait_dma2 semaphore(%run_scoped3A : memref<!tpu.dma_semaphore, #tpu.memory_space<semaphore_mem>>) src(%dma_wait3A_45 : memref<128xi32, #tpu.memory_space<hbm>>) dst(%arg15 : memref<128xi32, #tpu.memory_space<vmem>>)
      tpu.yield
    }) : () -> ()
    %dma_start3A = arith.constant 0 : i32
    %dma_start3A_3 = arith.constant 0 : i32
    %dma_start3A_4 = tpu.memref_slice %arg7[%dma_start3A, %dma_start3A_3] : memref<100000x32xf32, #tpu.memory_space<hbm>> -> memref<100000x32xf32, #tpu.memory_space<hbm>>
    tpu.enqueue_indirect_dma source(%dma_start3A_4 : memref<100000x32xf32, #tpu.memory_space<hbm>>) target(%arg16 : memref<128x32xf32, #tpu.memory_space<vmem>>) offsets(%arg14 : memref<128xi32, #tpu.memory_space<vmem>>) semaphore(%arg29 : memref<!tpu.dma_semaphore, #tpu.memory_space<semaphore_mem>>)
    %dma_start3A_5 = arith.constant 0 : i32
    %dma_start3A_6 = arith.constant 0 : i32
    %dma_start3A_7 = tpu.memref_slice %arg8[%dma_start3A_5, %dma_start3A_6] : memref<100000x32xf32, #tpu.memory_space<hbm>> -> memref<100000x32xf32, #tpu.memory_space<hbm>>
    tpu.enqueue_indirect_dma source(%dma_start3A_7 : memref<100000x32xf32, #tpu.memory_space<hbm>>) target(%arg20 : memref<128x32xf32, #tpu.memory_space<vmem>>) offsets(%arg14 : memref<128xi32, #tpu.memory_space<vmem>>) semaphore(%arg29 : memref<!tpu.dma_semaphore, #tpu.memory_space<semaphore_mem>>)
    %dma_start3A_8 = arith.constant 0 : i32
    %dma_start3A_9 = arith.constant 0 : i32
    %dma_start3A_10 = tpu.memref_slice %arg6[%dma_start3A_8, %dma_start3A_9] : memref<1000000x32xf32, #tpu.memory_space<hbm>> -> memref<1000000x32xf32, #tpu.memory_space<hbm>>
    tpu.enqueue_indirect_dma source(%dma_start3A_10 : memref<1000000x32xf32, #tpu.memory_space<hbm>>) target(%arg17 : memref<128x32xf32, #tpu.memory_space<vmem>>) offsets(%arg15 : memref<128xi32, #tpu.memory_space<vmem>>) semaphore(%arg29 : memref<!tpu.dma_semaphore, #tpu.memory_space<semaphore_mem>>)
    %dma_start3A_11 = arith.constant 0 : i32
    %dma_start3A_12 = arith.constant 0 : i32
    %dma_start3A_13 = tpu.memref_slice %arg4[%dma_start3A_11, %dma_start3A_12] : memref<1000000x16xi32, #tpu.memory_space<hbm>> -> memref<1000000x16xi32, #tpu.memory_space<hbm>>
    tpu.enqueue_indirect_dma source(%dma_start3A_13 : memref<1000000x16xi32, #tpu.memory_space<hbm>>) target(%arg18 : memref<128x16xi32, #tpu.memory_space<vmem>>) offsets(%arg15 : memref<128xi32, #tpu.memory_space<vmem>>) semaphore(%arg29 : memref<!tpu.dma_semaphore, #tpu.memory_space<semaphore_mem>>)
    %dma_start3A_14 = arith.constant 0 : i32
    %dma_start3A_15 = arith.constant 0 : i32
    %dma_start3A_16 = tpu.memref_slice %arg5[%dma_start3A_14, %dma_start3A_15] : memref<1000000x16xi32, #tpu.memory_space<hbm>> -> memref<1000000x16xi32, #tpu.memory_space<hbm>>
    tpu.enqueue_indirect_dma source(%dma_start3A_16 : memref<1000000x16xi32, #tpu.memory_space<hbm>>) target(%arg19 : memref<128x16xi32, #tpu.memory_space<vmem>>) offsets(%arg15 : memref<128xi32, #tpu.memory_space<vmem>>) semaphore(%arg29 : memref<!tpu.dma_semaphore, #tpu.memory_space<semaphore_mem>>)
    %dma_wait3A = arith.constant 0 : i32
    %dma_wait3A_17 = arith.constant 0 : i32
    %dma_wait3A_18 = tpu.memref_slice %arg7[%dma_wait3A, %dma_wait3A_17] : memref<100000x32xf32, #tpu.memory_space<hbm>> -> memref<100000x32xf32, #tpu.memory_space<hbm>>
    tpu.wait_indirect_dma semaphore(%arg29 : memref<!tpu.dma_semaphore, #tpu.memory_space<semaphore_mem>>) src(%dma_wait3A_18 : memref<100000x32xf32, #tpu.memory_space<hbm>>) dst(%arg16 : memref<128x32xf32, #tpu.memory_space<vmem>>)
    %dma_wait3A_19 = arith.constant 0 : i32
    %dma_wait3A_20 = arith.constant 0 : i32
    %dma_wait3A_21 = tpu.memref_slice %arg8[%dma_wait3A_19, %dma_wait3A_20] : memref<100000x32xf32, #tpu.memory_space<hbm>> -> memref<100000x32xf32, #tpu.memory_space<hbm>>
    tpu.wait_indirect_dma semaphore(%arg29 : memref<!tpu.dma_semaphore, #tpu.memory_space<semaphore_mem>>) src(%dma_wait3A_21 : memref<100000x32xf32, #tpu.memory_space<hbm>>) dst(%arg20 : memref<128x32xf32, #tpu.memory_space<vmem>>)
    %dma_wait3A_22 = arith.constant 0 : i32
    %dma_wait3A_23 = arith.constant 0 : i32
    %dma_wait3A_24 = tpu.memref_slice %arg6[%dma_wait3A_22, %dma_wait3A_23] : memref<1000000x32xf32, #tpu.memory_space<hbm>> -> memref<1000000x32xf32, #tpu.memory_space<hbm>>
    tpu.wait_indirect_dma semaphore(%arg29 : memref<!tpu.dma_semaphore, #tpu.memory_space<semaphore_mem>>) src(%dma_wait3A_24 : memref<1000000x32xf32, #tpu.memory_space<hbm>>) dst(%arg17 : memref<128x32xf32, #tpu.memory_space<vmem>>)
    %dma_wait3A_25 = arith.constant 0 : i32
    %dma_wait3A_26 = arith.constant 0 : i32
    %dma_wait3A_27 = tpu.memref_slice %arg4[%dma_wait3A_25, %dma_wait3A_26] : memref<1000000x16xi32, #tpu.memory_space<hbm>> -> memref<1000000x16xi32, #tpu.memory_space<hbm>>
    tpu.wait_indirect_dma semaphore(%arg29 : memref<!tpu.dma_semaphore, #tpu.memory_space<semaphore_mem>>) src(%dma_wait3A_27 : memref<1000000x16xi32, #tpu.memory_space<hbm>>) dst(%arg18 : memref<128x16xi32, #tpu.memory_space<vmem>>)
    %dma_wait3A_28 = arith.constant 0 : i32
    %dma_wait3A_29 = arith.constant 0 : i32
    %dma_wait3A_30 = tpu.memref_slice %arg5[%dma_wait3A_28, %dma_wait3A_29] : memref<1000000x16xi32, #tpu.memory_space<hbm>> -> memref<1000000x16xi32, #tpu.memory_space<hbm>>
    tpu.wait_indirect_dma semaphore(%arg29 : memref<!tpu.dma_semaphore, #tpu.memory_space<semaphore_mem>>) src(%dma_wait3A_30 : memref<1000000x16xi32, #tpu.memory_space<hbm>>) dst(%arg19 : memref<128x16xi32, #tpu.memory_space<vmem>>)
    "tpu.region"() ({
      %run_scoped3A = tpu.sem_alloc : memref<!tpu.dma_semaphore, #tpu.memory_space<semaphore_mem>>
      %dma_start3A_42 = arith.constant 0 : i32
      %dma_start3A_43 = tpu.memref_slice %arg9[%mul3A_2, %dma_start3A_42] : memref<4096x32xf32, #tpu.memory_space<hbm>> -> memref<128x32xf32, #tpu.memory_space<hbm>>
      %dma_start3A_44 = arith.constant 0 : i32
      %dma_start3A_45 = tpu.memref_slice %arg9[%mul3A_2, %dma_start3A_44] : memref<4096x32xf32, #tpu.memory_space<hbm>> -> memref<128x32xf32, #tpu.memory_space<hbm>>
      tpu.enqueue_dma source(%arg16 : memref<128x32xf32, #tpu.memory_space<vmem>>) target(%dma_start3A_45 : memref<128x32xf32, #tpu.memory_space<hbm>>) target_semaphore(%run_scoped3A : memref<!tpu.dma_semaphore, #tpu.memory_space<semaphore_mem>>)
      %dma_wait3A_46 = arith.constant 0 : i32
      %dma_wait3A_47 = tpu.memref_slice %arg9[%mul3A_2, %dma_wait3A_46] : memref<4096x32xf32, #tpu.memory_space<hbm>> -> memref<128x32xf32, #tpu.memory_space<hbm>>
      %dma_wait3A_48 = arith.constant 0 : i32
      %dma_wait3A_49 = tpu.memref_slice %arg9[%mul3A_2, %dma_wait3A_48] : memref<4096x32xf32, #tpu.memory_space<hbm>> -> memref<128x32xf32, #tpu.memory_space<hbm>>
      tpu.wait_dma2 semaphore(%run_scoped3A : memref<!tpu.dma_semaphore, #tpu.memory_space<semaphore_mem>>) src(%arg16 : memref<128x32xf32, #tpu.memory_space<vmem>>) dst(%dma_wait3A_49 : memref<128x32xf32, #tpu.memory_space<hbm>>)
      tpu.yield
    }) : () -> ()
    "tpu.region"() ({
      %run_scoped3A = tpu.sem_alloc : memref<!tpu.dma_semaphore, #tpu.memory_space<semaphore_mem>>
      %dma_start3A_42 = arith.constant 0 : i32
      %dma_start3A_43 = tpu.memref_slice %arg10[%mul3A_2, %dma_start3A_42] : memref<4096x32xf32, #tpu.memory_space<hbm>> -> memref<128x32xf32, #tpu.memory_space<hbm>>
      %dma_start3A_44 = arith.constant 0 : i32
      %dma_start3A_45 = tpu.memref_slice %arg10[%mul3A_2, %dma_start3A_44] : memref<4096x32xf32, #tpu.memory_space<hbm>> -> memref<128x32xf32, #tpu.memory_space<hbm>>
      tpu.enqueue_dma source(%arg17 : memref<128x32xf32, #tpu.memory_space<vmem>>) target(%dma_start3A_45 : memref<128x32xf32, #tpu.memory_space<hbm>>) target_semaphore(%run_scoped3A : memref<!tpu.dma_semaphore, #tpu.memory_space<semaphore_mem>>)
      %dma_wait3A_46 = arith.constant 0 : i32
      %dma_wait3A_47 = tpu.memref_slice %arg10[%mul3A_2, %dma_wait3A_46] : memref<4096x32xf32, #tpu.memory_space<hbm>> -> memref<128x32xf32, #tpu.memory_space<hbm>>
      %dma_wait3A_48 = arith.constant 0 : i32
      %dma_wait3A_49 = tpu.memref_slice %arg10[%mul3A_2, %dma_wait3A_48] : memref<4096x32xf32, #tpu.memory_space<hbm>> -> memref<128x32xf32, #tpu.memory_space<hbm>>
      tpu.wait_dma2 semaphore(%run_scoped3A : memref<!tpu.dma_semaphore, #tpu.memory_space<semaphore_mem>>) src(%arg17 : memref<128x32xf32, #tpu.memory_space<vmem>>) dst(%dma_wait3A_49 : memref<128x32xf32, #tpu.memory_space<hbm>>)
      tpu.yield
    }) : () -> ()
    "tpu.region"() ({
      %run_scoped3A = tpu.sem_alloc : memref<!tpu.dma_semaphore, #tpu.memory_space<semaphore_mem>>
      %dma_start3A_42 = arith.constant 0 : i32
      %dma_start3A_43 = tpu.memref_slice %arg11[%mul3A_2, %dma_start3A_42] : memref<4096x16xi32, #tpu.memory_space<hbm>> -> memref<128x16xi32, #tpu.memory_space<hbm>>
      %dma_start3A_44 = arith.constant 0 : i32
      %dma_start3A_45 = tpu.memref_slice %arg11[%mul3A_2, %dma_start3A_44] : memref<4096x16xi32, #tpu.memory_space<hbm>> -> memref<128x16xi32, #tpu.memory_space<hbm>>
      tpu.enqueue_dma source(%arg19 : memref<128x16xi32, #tpu.memory_space<vmem>>) target(%dma_start3A_45 : memref<128x16xi32, #tpu.memory_space<hbm>>) target_semaphore(%run_scoped3A : memref<!tpu.dma_semaphore, #tpu.memory_space<semaphore_mem>>)
      %dma_wait3A_46 = arith.constant 0 : i32
      %dma_wait3A_47 = tpu.memref_slice %arg11[%mul3A_2, %dma_wait3A_46] : memref<4096x16xi32, #tpu.memory_space<hbm>> -> memref<128x16xi32, #tpu.memory_space<hbm>>
      %dma_wait3A_48 = arith.constant 0 : i32
      %dma_wait3A_49 = tpu.memref_slice %arg11[%mul3A_2, %dma_wait3A_48] : memref<4096x16xi32, #tpu.memory_space<hbm>> -> memref<128x16xi32, #tpu.memory_space<hbm>>
      tpu.wait_dma2 semaphore(%run_scoped3A : memref<!tpu.dma_semaphore, #tpu.memory_space<semaphore_mem>>) src(%arg19 : memref<128x16xi32, #tpu.memory_space<vmem>>) dst(%dma_wait3A_49 : memref<128x16xi32, #tpu.memory_space<hbm>>)
      tpu.yield
    }) : () -> ()
    %scan3A = arith.constant 0 : i32
    %scan3A_31 = arith.constant 0 : i32
    %scan3A_32 = arith.constant 128 : i32
    %scan3A_33 = arith.addi %scan3A_31, %scan3A_32 : i32
    %scan3A_34 = arith.constant 1 : i32
    scf.for %scan3A_42 = %scan3A_31 to %scan3A_33 step %scan3A_34  : i32 {
      %get3A = arith.index_cast %scan3A_42 : i32 to index
      %get3A_43 = arith.constant 0 : index
      %get3A_44 = tpu.vector_load %arg18[%get3A, %get3A_43] {strides = array<i32>} : memref<128x16xi32, #tpu.memory_space<vmem>>, vector<16xi32>,
      %mul3A_45 = arith.constant 16 : i32
      %mul3A_46 = arith.muli %scan3A_42, %mul3A_45 : i32
      %swap3A = arith.index_cast %mul3A_46 : i32 to index
      %swap3A_47 = tpu.vector_load %arg21[%swap3A] {strides = array<i32>} : memref<2048xi32, #tpu.memory_space<vmem>>, vector<16xi32>,
      tpu.vector_store %arg21[%swap3A], %get3A_44 {strides = array<i32>} : memref<2048xi32, #tpu.memory_space<vmem>>, vector<16xi32>,
    }
    %scan3A_35 = arith.constant 128 : i32
    %scan3A_36 = arith.constant 0 : i32
    %scan3A_37 = arith.constant 0 : i32
    %scan3A_38 = arith.constant 16 : i32
    %scan3A_39 = arith.addi %scan3A_37, %scan3A_38 : i32
    %scan3A_40 = arith.constant 1 : i32
    scf.for %scan3A_42 = %scan3A_37 to %scan3A_39 step %scan3A_40  : i32 {
      %mul3A_43 = arith.constant 16 : i32
      %mul3A_44 = arith.muli %mul3A_2, %mul3A_43 : i32
      %mul3A_45 = arith.constant 128 : i32
      %mul3A_46 = arith.muli %scan3A_42, %mul3A_45 : i32
      %add3A_47 = arith.addi %mul3A_44, %mul3A_46 : i32
      %mul3A_48 = arith.constant 128 : i32
      %mul3A_49 = arith.muli %scan3A_42, %mul3A_48 : i32
      %mul3A_50 = arith.constant 128 : i32
      %mul3A_51 = arith.muli %scan3A_42, %mul3A_50 : i32
      %add3A_52 = arith.constant 64 : i32
      %add3A_53 = arith.addi %mul3A_51, %add3A_52 : i32
      %dma_start3A_54 = arith.constant 0 : i32
      %dma_start3A_55 = arith.constant 0 : i32
      %dma_start3A_56 = tpu.memref_slice %arg22[%dma_start3A_54, %dma_start3A_55] : memref<128x32xf32, #tpu.memory_space<vmem>> -> memref<64x32xf32, #tpu.memory_space<vmem>>
      %dma_start3A_57 = tpu.memref_slice %arg21[%mul3A_49] : memref<2048xi32, #tpu.memory_space<vmem>> -> memref<64xi32, #tpu.memory_space<vmem>>
      %dma_start3A_58 = arith.constant 0 : i32
      %dma_start3A_59 = arith.constant 0 : i32
      %dma_start3A_60 = tpu.memref_slice %arg6[%dma_start3A_58, %dma_start3A_59] : memref<1000000x32xf32, #tpu.memory_space<hbm>> -> memref<1000000x32xf32, #tpu.memory_space<hbm>>
      tpu.enqueue_indirect_dma source(%dma_start3A_60 : memref<1000000x32xf32, #tpu.memory_space<hbm>>) target(%dma_start3A_56 : memref<64x32xf32, #tpu.memory_space<vmem>>) offsets(%dma_start3A_57 : memref<64xi32, #tpu.memory_space<vmem>>) semaphore(%arg29 : memref<!tpu.dma_semaphore, #tpu.memory_space<semaphore_mem>>)
      %dma_start3A_61 = arith.constant 0 : i32
      %dma_start3A_62 = arith.constant 0 : i32
      %dma_start3A_63 = tpu.memref_slice %arg23[%dma_start3A_61, %dma_start3A_62] : memref<128x16xi32, #tpu.memory_space<vmem>> -> memref<64x16xi32, #tpu.memory_space<vmem>>
      %dma_start3A_64 = tpu.memref_slice %arg21[%mul3A_49] : memref<2048xi32, #tpu.memory_space<vmem>> -> memref<64xi32, #tpu.memory_space<vmem>>
      %dma_start3A_65 = arith.constant 0 : i32
      %dma_start3A_66 = arith.constant 0 : i32
      %dma_start3A_67 = tpu.memref_slice %arg4[%dma_start3A_65, %dma_start3A_66] : memref<1000000x16xi32, #tpu.memory_space<hbm>> -> memref<1000000x16xi32, #tpu.memory_space<hbm>>
      tpu.enqueue_indirect_dma source(%dma_start3A_67 : memref<1000000x16xi32, #tpu.memory_space<hbm>>) target(%dma_start3A_63 : memref<64x16xi32, #tpu.memory_space<vmem>>) offsets(%dma_start3A_64 : memref<64xi32, #tpu.memory_space<vmem>>) semaphore(%arg29 : memref<!tpu.dma_semaphore, #tpu.memory_space<semaphore_mem>>)
      %dma_start3A_68 = arith.constant 0 : i32
      %dma_start3A_69 = arith.constant 0 : i32
      %dma_start3A_70 = tpu.memref_slice %arg24[%dma_start3A_68, %dma_start3A_69] : memref<128x16xi32, #tpu.memory_space<vmem>> -> memref<64x16xi32, #tpu.memory_space<vmem>>
      %dma_start3A_71 = tpu.memref_slice %arg21[%mul3A_49] : memref<2048xi32, #tpu.memory_space<vmem>> -> memref<64xi32, #tpu.memory_space<vmem>>
      %dma_start3A_72 = arith.constant 0 : i32
      %dma_start3A_73 = arith.constant 0 : i32
      %dma_start3A_74 = tpu.memref_slice %arg5[%dma_start3A_72, %dma_start3A_73] : memref<1000000x16xi32, #tpu.memory_space<hbm>> -> memref<1000000x16xi32, #tpu.memory_space<hbm>>
      tpu.enqueue_indirect_dma source(%dma_start3A_74 : memref<1000000x16xi32, #tpu.memory_space<hbm>>) target(%dma_start3A_70 : memref<64x16xi32, #tpu.memory_space<vmem>>) offsets(%dma_start3A_71 : memref<64xi32, #tpu.memory_space<vmem>>) semaphore(%arg29 : memref<!tpu.dma_semaphore, #tpu.memory_space<semaphore_mem>>)
      %dma_start3A_75 = arith.constant 64 : i32
      %dma_start3A_76 = arith.constant 0 : i32
      %dma_start3A_77 = tpu.memref_slice %arg22[%dma_start3A_75, %dma_start3A_76] : memref<128x32xf32, #tpu.memory_space<vmem>> -> memref<64x32xf32, #tpu.memory_space<vmem>>
      %dma_start3A_78 = tpu.memref_slice %arg21[%add3A_53] : memref<2048xi32, #tpu.memory_space<vmem>> -> memref<64xi32, #tpu.memory_space<vmem>>
      %dma_start3A_79 = arith.constant 0 : i32
      %dma_start3A_80 = arith.constant 0 : i32
      %dma_start3A_81 = tpu.memref_slice %arg6[%dma_start3A_79, %dma_start3A_80] : memref<1000000x32xf32, #tpu.memory_space<hbm>> -> memref<1000000x32xf32, #tpu.memory_space<hbm>>
      tpu.enqueue_indirect_dma source(%dma_start3A_81 : memref<1000000x32xf32, #tpu.memory_space<hbm>>) target(%dma_start3A_77 : memref<64x32xf32, #tpu.memory_space<vmem>>) offsets(%dma_start3A_78 : memref<64xi32, #tpu.memory_space<vmem>>) semaphore(%arg29 : memref<!tpu.dma_semaphore, #tpu.memory_space<semaphore_mem>>)
      %dma_start3A_82 = arith.constant 64 : i32
      %dma_start3A_83 = arith.constant 0 : i32
      %dma_start3A_84 = tpu.memref_slice %arg23[%dma_start3A_82, %dma_start3A_83] : memref<128x16xi32, #tpu.memory_space<vmem>> -> memref<64x16xi32, #tpu.memory_space<vmem>>
      %dma_start3A_85 = tpu.memref_slice %arg21[%add3A_53] : memref<2048xi32, #tpu.memory_space<vmem>> -> memref<64xi32, #tpu.memory_space<vmem>>
      %dma_start3A_86 = arith.constant 0 : i32
      %dma_start3A_87 = arith.constant 0 : i32
      %dma_start3A_88 = tpu.memref_slice %arg4[%dma_start3A_86, %dma_start3A_87] : memref<1000000x16xi32, #tpu.memory_space<hbm>> -> memref<1000000x16xi32, #tpu.memory_space<hbm>>
      tpu.enqueue_indirect_dma source(%dma_start3A_88 : memref<1000000x16xi32, #tpu.memory_space<hbm>>) target(%dma_start3A_84 : memref<64x16xi32, #tpu.memory_space<vmem>>) offsets(%dma_start3A_85 : memref<64xi32, #tpu.memory_space<vmem>>) semaphore(%arg29 : memref<!tpu.dma_semaphore, #tpu.memory_space<semaphore_mem>>)
      %dma_start3A_89 = arith.constant 64 : i32
      %dma_start3A_90 = arith.constant 0 : i32
      %dma_start3A_91 = tpu.memref_slice %arg24[%dma_start3A_89, %dma_start3A_90] : memref<128x16xi32, #tpu.memory_space<vmem>> -> memref<64x16xi32, #tpu.memory_space<vmem>>
      %dma_start3A_92 = tpu.memref_slice %arg21[%add3A_53] : memref<2048xi32, #tpu.memory_space<vmem>> -> memref<64xi32, #tpu.memory_space<vmem>>
      %dma_start3A_93 = arith.constant 0 : i32
      %dma_start3A_94 = arith.constant 0 : i32
      %dma_start3A_95 = tpu.memref_slice %arg5[%dma_start3A_93, %dma_start3A_94] : memref<1000000x16xi32, #tpu.memory_space<hbm>> -> memref<1000000x16xi32, #tpu.memory_space<hbm>>
      tpu.enqueue_indirect_dma source(%dma_start3A_95 : memref<1000000x16xi32, #tpu.memory_space<hbm>>) target(%dma_start3A_91 : memref<64x16xi32, #tpu.memory_space<vmem>>) offsets(%dma_start3A_92 : memref<64xi32, #tpu.memory_space<vmem>>) semaphore(%arg29 : memref<!tpu.dma_semaphore, #tpu.memory_space<semaphore_mem>>)
      %dma_wait3A_96 = arith.constant 0 : i32
      %dma_wait3A_97 = arith.constant 0 : i32
      %dma_wait3A_98 = tpu.memref_slice %arg23[%dma_wait3A_96, %dma_wait3A_97] : memref<128x16xi32, #tpu.memory_space<vmem>> -> memref<64x16xi32, #tpu.memory_space<vmem>>
      %dma_wait3A_99 = tpu.memref_slice %arg21[%mul3A_49] : memref<2048xi32, #tpu.memory_space<vmem>> -> memref<64xi32, #tpu.memory_space<vmem>>
      %dma_wait3A_100 = arith.constant 0 : i32
      %dma_wait3A_101 = arith.constant 0 : i32
      %dma_wait3A_102 = tpu.memref_slice %arg4[%dma_wait3A_100, %dma_wait3A_101] : memref<1000000x16xi32, #tpu.memory_space<hbm>> -> memref<1000000x16xi32, #tpu.memory_space<hbm>>
      tpu.wait_indirect_dma semaphore(%arg29 : memref<!tpu.dma_semaphore, #tpu.memory_space<semaphore_mem>>) src(%dma_wait3A_102 : memref<1000000x16xi32, #tpu.memory_space<hbm>>) dst(%dma_wait3A_98 : memref<64x16xi32, #tpu.memory_space<vmem>>)
      %scan3A_103 = arith.constant 0 : i32
      %scan3A_104 = arith.constant 0 : i32
      %scan3A_105 = arith.constant 64 : i32
      %scan3A_106 = arith.addi %scan3A_104, %scan3A_105 : i32
      %scan3A_107 = arith.constant 1 : i32
      scf.for %scan3A_194 = %scan3A_104 to %scan3A_106 step %scan3A_107  : i32 {
        %get3A = arith.index_cast %scan3A_194 : i32 to index
        %get3A_195 = arith.constant 0 : index
        %get3A_196 = tpu.vector_load %arg23[%get3A, %get3A_195] {strides = array<i32>} : memref<128x16xi32, #tpu.memory_space<vmem>>, vector<16xi32>,
        %mul3A_197 = arith.constant 16 : i32
        %mul3A_198 = arith.muli %scan3A_194, %mul3A_197 : i32
        %swap3A = arith.index_cast %mul3A_198 : i32 to index
        %swap3A_199 = tpu.vector_load %arg25[%swap3A] {strides = array<i32>} : memref<2048xi32, #tpu.memory_space<vmem>>, vector<16xi32>,
        tpu.vector_store %arg25[%swap3A], %get3A_196 {strides = array<i32>} : memref<2048xi32, #tpu.memory_space<vmem>>, vector<16xi32>,
      }
      %scan3A_108 = arith.constant 64 : i32
      %dma_start3A_109 = arith.constant 0 : i32
      %dma_start3A_110 = arith.constant 0 : i32
      %dma_start3A_111 = tpu.memref_slice %arg26[%dma_start3A_109, %dma_start3A_110] : memref<2048x32xf32, #tpu.memory_space<vmem>> -> memref<1024x32xf32, #tpu.memory_space<vmem>>
      %dma_start3A_112 = arith.constant 0 : i32
      %dma_start3A_113 = tpu.memref_slice %arg25[%dma_start3A_112] : memref<2048xi32, #tpu.memory_space<vmem>> -> memref<1024xi32, #tpu.memory_space<vmem>>
      %dma_start3A_114 = arith.constant 0 : i32
      %dma_start3A_115 = arith.constant 0 : i32
      %dma_start3A_116 = tpu.memref_slice %arg6[%dma_start3A_114, %dma_start3A_115] : memref<1000000x32xf32, #tpu.memory_space<hbm>> -> memref<1000000x32xf32, #tpu.memory_space<hbm>>
      tpu.enqueue_indirect_dma source(%dma_start3A_116 : memref<1000000x32xf32, #tpu.memory_space<hbm>>) target(%dma_start3A_111 : memref<1024x32xf32, #tpu.memory_space<vmem>>) offsets(%dma_start3A_113 : memref<1024xi32, #tpu.memory_space<vmem>>) semaphore(%arg29 : memref<!tpu.dma_semaphore, #tpu.memory_space<semaphore_mem>>)
      %dma_wait3A_117 = arith.constant 64 : i32
      %dma_wait3A_118 = arith.constant 0 : i32
      %dma_wait3A_119 = tpu.memref_slice %arg23[%dma_wait3A_117, %dma_wait3A_118] : memref<128x16xi32, #tpu.memory_space<vmem>> -> memref<64x16xi32, #tpu.memory_space<vmem>>
      %dma_wait3A_120 = tpu.memref_slice %arg21[%add3A_53] : memref<2048xi32, #tpu.memory_space<vmem>> -> memref<64xi32, #tpu.memory_space<vmem>>
      %dma_wait3A_121 = arith.constant 0 : i32
      %dma_wait3A_122 = arith.constant 0 : i32
      %dma_wait3A_123 = tpu.memref_slice %arg4[%dma_wait3A_121, %dma_wait3A_122] : memref<1000000x16xi32, #tpu.memory_space<hbm>> -> memref<1000000x16xi32, #tpu.memory_space<hbm>>
      tpu.wait_indirect_dma semaphore(%arg29 : memref<!tpu.dma_semaphore, #tpu.memory_space<semaphore_mem>>) src(%dma_wait3A_123 : memref<1000000x16xi32, #tpu.memory_space<hbm>>) dst(%dma_wait3A_119 : memref<64x16xi32, #tpu.memory_space<vmem>>)
      %scan3A_124 = arith.constant 0 : i32
      %scan3A_125 = arith.constant 64 : i32
      %scan3A_126 = arith.constant 64 : i32
      %scan3A_127 = arith.addi %scan3A_125, %scan3A_126 : i32
      %scan3A_128 = arith.constant 1 : i32
      scf.for %scan3A_194 = %scan3A_125 to %scan3A_127 step %scan3A_128  : i32 {
        %get3A = arith.index_cast %scan3A_194 : i32 to index
        %get3A_195 = arith.constant 0 : index
        %get3A_196 = tpu.vector_load %arg23[%get3A, %get3A_195] {strides = array<i32>} : memref<128x16xi32, #tpu.memory_space<vmem>>, vector<16xi32>,
        %mul3A_197 = arith.constant 16 : i32
        %mul3A_198 = arith.muli %scan3A_194, %mul3A_197 : i32
        %swap3A = arith.index_cast %mul3A_198 : i32 to index
        %swap3A_199 = tpu.vector_load %arg25[%swap3A] {strides = array<i32>} : memref<2048xi32, #tpu.memory_space<vmem>>, vector<16xi32>,
        tpu.vector_store %arg25[%swap3A], %get3A_196 {strides = array<i32>} : memref<2048xi32, #tpu.memory_space<vmem>>, vector<16xi32>,
      }
      %scan3A_129 = arith.constant 64 : i32
      %dma_start3A_130 = arith.constant 1024 : i32
      %dma_start3A_131 = arith.constant 0 : i32
      %dma_start3A_132 = tpu.memref_slice %arg26[%dma_start3A_130, %dma_start3A_131] : memref<2048x32xf32, #tpu.memory_space<vmem>> -> memref<1024x32xf32, #tpu.memory_space<vmem>>
      %dma_start3A_133 = arith.constant 1024 : i32
      %dma_start3A_134 = tpu.memref_slice %arg25[%dma_start3A_133] : memref<2048xi32, #tpu.memory_space<vmem>> -> memref<1024xi32, #tpu.memory_space<vmem>>
      %dma_start3A_135 = arith.constant 0 : i32
      %dma_start3A_136 = arith.constant 0 : i32
      %dma_start3A_137 = tpu.memref_slice %arg6[%dma_start3A_135, %dma_start3A_136] : memref<1000000x32xf32, #tpu.memory_space<hbm>> -> memref<1000000x32xf32, #tpu.memory_space<hbm>>
      tpu.enqueue_indirect_dma source(%dma_start3A_137 : memref<1000000x32xf32, #tpu.memory_space<hbm>>) target(%dma_start3A_132 : memref<1024x32xf32, #tpu.memory_space<vmem>>) offsets(%dma_start3A_134 : memref<1024xi32, #tpu.memory_space<vmem>>) semaphore(%arg29 : memref<!tpu.dma_semaphore, #tpu.memory_space<semaphore_mem>>)
      %dma_wait3A_138 = arith.constant 0 : i32
      %dma_wait3A_139 = arith.constant 0 : i32
      %dma_wait3A_140 = tpu.memref_slice %arg22[%dma_wait3A_138, %dma_wait3A_139] : memref<128x32xf32, #tpu.memory_space<vmem>> -> memref<64x32xf32, #tpu.memory_space<vmem>>
      %dma_wait3A_141 = tpu.memref_slice %arg21[%mul3A_49] : memref<2048xi32, #tpu.memory_space<vmem>> -> memref<64xi32, #tpu.memory_space<vmem>>
      %dma_wait3A_142 = arith.constant 0 : i32
      %dma_wait3A_143 = arith.constant 0 : i32
      %dma_wait3A_144 = tpu.memref_slice %arg6[%dma_wait3A_142, %dma_wait3A_143] : memref<1000000x32xf32, #tpu.memory_space<hbm>> -> memref<1000000x32xf32, #tpu.memory_space<hbm>>
      tpu.wait_indirect_dma semaphore(%arg29 : memref<!tpu.dma_semaphore, #tpu.memory_space<semaphore_mem>>) src(%dma_wait3A_144 : memref<1000000x32xf32, #tpu.memory_space<hbm>>) dst(%dma_wait3A_140 : memref<64x32xf32, #tpu.memory_space<vmem>>)
      %dma_wait3A_145 = arith.constant 0 : i32
      %dma_wait3A_146 = arith.constant 0 : i32
      %dma_wait3A_147 = tpu.memref_slice %arg24[%dma_wait3A_145, %dma_wait3A_146] : memref<128x16xi32, #tpu.memory_space<vmem>> -> memref<64x16xi32, #tpu.memory_space<vmem>>
      %dma_wait3A_148 = tpu.memref_slice %arg21[%mul3A_49] : memref<2048xi32, #tpu.memory_space<vmem>> -> memref<64xi32, #tpu.memory_space<vmem>>
      %dma_wait3A_149 = arith.constant 0 : i32
      %dma_wait3A_150 = arith.constant 0 : i32
      %dma_wait3A_151 = tpu.memref_slice %arg5[%dma_wait3A_149, %dma_wait3A_150] : memref<1000000x16xi32, #tpu.memory_space<hbm>> -> memref<1000000x16xi32, #tpu.memory_space<hbm>>
      tpu.wait_indirect_dma semaphore(%arg29 : memref<!tpu.dma_semaphore, #tpu.memory_space<semaphore_mem>>) src(%dma_wait3A_151 : memref<1000000x16xi32, #tpu.memory_space<hbm>>) dst(%dma_wait3A_147 : memref<64x16xi32, #tpu.memory_space<vmem>>)
      %dma_wait3A_152 = arith.constant 64 : i32
      %dma_wait3A_153 = arith.constant 0 : i32
      %dma_wait3A_154 = tpu.memref_slice %arg22[%dma_wait3A_152, %dma_wait3A_153] : memref<128x32xf32, #tpu.memory_space<vmem>> -> memref<64x32xf32, #tpu.memory_space<vmem>>
      %dma_wait3A_155 = tpu.memref_slice %arg21[%add3A_53] : memref<2048xi32, #tpu.memory_space<vmem>> -> memref<64xi32, #tpu.memory_space<vmem>>
      %dma_wait3A_156 = arith.constant 0 : i32
      %dma_wait3A_157 = arith.constant 0 : i32
      %dma_wait3A_158 = tpu.memref_slice %arg6[%dma_wait3A_156, %dma_wait3A_157] : memref<1000000x32xf32, #tpu.memory_space<hbm>> -> memref<1000000x32xf32, #tpu.memory_space<hbm>>
      tpu.wait_indirect_dma semaphore(%arg29 : memref<!tpu.dma_semaphore, #tpu.memory_space<semaphore_mem>>) src(%dma_wait3A_158 : memref<1000000x32xf32, #tpu.memory_space<hbm>>) dst(%dma_wait3A_154 : memref<64x32xf32, #tpu.memory_space<vmem>>)
      %dma_wait3A_159 = arith.constant 64 : i32
      %dma_wait3A_160 = arith.constant 0 : i32
      %dma_wait3A_161 = tpu.memref_slice %arg24[%dma_wait3A_159, %dma_wait3A_160] : memref<128x16xi32, #tpu.memory_space<vmem>> -> memref<64x16xi32, #tpu.memory_space<vmem>>
      %dma_wait3A_162 = tpu.memref_slice %arg21[%add3A_53] : memref<2048xi32, #tpu.memory_space<vmem>> -> memref<64xi32, #tpu.memory_space<vmem>>
      %dma_wait3A_163 = arith.constant 0 : i32
      %dma_wait3A_164 = arith.constant 0 : i32
      %dma_wait3A_165 = tpu.memref_slice %arg5[%dma_wait3A_163, %dma_wait3A_164] : memref<1000000x16xi32, #tpu.memory_space<hbm>> -> memref<1000000x16xi32, #tpu.memory_space<hbm>>
      tpu.wait_indirect_dma semaphore(%arg29 : memref<!tpu.dma_semaphore, #tpu.memory_space<semaphore_mem>>) src(%dma_wait3A_165 : memref<1000000x16xi32, #tpu.memory_space<hbm>>) dst(%dma_wait3A_161 : memref<64x16xi32, #tpu.memory_space<vmem>>)
      "tpu.region"() ({
        %run_scoped3A = tpu.sem_alloc : memref<!tpu.dma_semaphore, #tpu.memory_space<semaphore_mem>>
        %dma_start3A_194 = arith.constant 0 : i32
        %dma_start3A_195 = tpu.memref_slice %arg12[%add3A_47, %dma_start3A_194] : memref<65536x32xf32, #tpu.memory_space<hbm>> -> memref<128x32xf32, #tpu.memory_space<hbm>>
        %dma_start3A_196 = arith.constant 0 : i32
        %dma_start3A_197 = tpu.memref_slice %arg12[%add3A_47, %dma_start3A_196] : memref<65536x32xf32, #tpu.memory_space<hbm>> -> memref<128x32xf32, #tpu.memory_space<hbm>>
        tpu.enqueue_dma source(%arg22 : memref<128x32xf32, #tpu.memory_space<vmem>>) target(%dma_start3A_197 : memref<128x32xf32, #tpu.memory_space<hbm>>) target_semaphore(%run_scoped3A : memref<!tpu.dma_semaphore, #tpu.memory_space<semaphore_mem>>)
        %dma_wait3A_198 = arith.constant 0 : i32
        %dma_wait3A_199 = tpu.memref_slice %arg12[%add3A_47, %dma_wait3A_198] : memref<65536x32xf32, #tpu.memory_space<hbm>> -> memref<128x32xf32, #tpu.memory_space<hbm>>
        %dma_wait3A_200 = arith.constant 0 : i32
        %dma_wait3A_201 = tpu.memref_slice %arg12[%add3A_47, %dma_wait3A_200] : memref<65536x32xf32, #tpu.memory_space<hbm>> -> memref<128x32xf32, #tpu.memory_space<hbm>>
        tpu.wait_dma2 semaphore(%run_scoped3A : memref<!tpu.dma_semaphore, #tpu.memory_space<semaphore_mem>>) src(%arg22 : memref<128x32xf32, #tpu.memory_space<vmem>>) dst(%dma_wait3A_201 : memref<128x32xf32, #tpu.memory_space<hbm>>)
        tpu.yield
      }) : () -> ()
      %dma_wait3A_166 = arith.constant 0 : i32
      %dma_wait3A_167 = arith.constant 0 : i32
      %dma_wait3A_168 = tpu.memref_slice %arg26[%dma_wait3A_166, %dma_wait3A_167] : memref<2048x32xf32, #tpu.memory_space<vmem>> -> memref<1024x32xf32, #tpu.memory_space<vmem>>
      %dma_wait3A_169 = arith.constant 0 : i32
      %dma_wait3A_170 = tpu.memref_slice %arg25[%dma_wait3A_169] : memref<2048xi32, #tpu.memory_space<vmem>> -> memref<1024xi32, #tpu.memory_space<vmem>>
      %dma_wait3A_171 = arith.constant 0 : i32
      %dma_wait3A_172 = arith.constant 0 : i32
      %dma_wait3A_173 = tpu.memref_slice %arg6[%dma_wait3A_171, %dma_wait3A_172] : memref<1000000x32xf32, #tpu.memory_space<hbm>> -> memref<1000000x32xf32, #tpu.memory_space<hbm>>
      tpu.wait_indirect_dma semaphore(%arg29 : memref<!tpu.dma_semaphore, #tpu.memory_space<semaphore_mem>>) src(%dma_wait3A_173 : memref<1000000x32xf32, #tpu.memory_space<hbm>>) dst(%dma_wait3A_168 : memref<1024x32xf32, #tpu.memory_space<vmem>>)
      %scan3A_174 = arith.constant 0 : i32
      %scan3A_175 = arith.constant 0 : i32
      %scan3A_176 = arith.constant 64 : i32
      %scan3A_177 = arith.addi %scan3A_175, %scan3A_176 : i32
      %scan3A_178 = arith.constant 1 : i32
      scf.for %scan3A_194 = %scan3A_175 to %scan3A_177 step %scan3A_178  : i32 {
        %mul3A_195 = arith.constant 8 : i32
        %mul3A_196 = arith.muli %scan3A_42, %mul3A_195 : i32
        %shift_right_arithmetic3A = arith.constant 4 : i32
        %shift_right_arithmetic3A_197 = arith.shrsi %scan3A_194, %shift_right_arithmetic3A : i32
        %add3A_198 = arith.addi %mul3A_196, %shift_right_arithmetic3A_197 : i32
        %get3A = arith.index_cast %scan3A_194 : i32 to index
        %get3A_199 = arith.constant 0 : index
        %get3A_200 = tpu.vector_load %arg24[%get3A, %get3A_199] {strides = array<i32>} : memref<128x16xi32, #tpu.memory_space<vmem>>, vector<16xi32>,
        %broadcast_in_dim3A = arith.constant 0 : i32
        %broadcast_in_dim3A_201 = vector.broadcast %broadcast_in_dim3A : i32 to vector<16xi32>
        %add3A_202 = vector.broadcast %add3A_198 : i32 to vector<16xi32>
        %add3A_203 = arith.addi %broadcast_in_dim3A_201, %add3A_202 : vector<16xi32>
        %gather3A = tpu.vector_load_idx %arg20[%add3A_203, %get3A_200] : memref<128x32xf32, #tpu.memory_space<vmem>>[vector<16xi32>, vector<16xi32>], vector<16xf32>,
        %reduce_max3A = arith.constant true
        %reduce_max3A_204 = vector.broadcast %reduce_max3A : i1 to vector<16xi1>
        %reduce_max3A_205 = tpu.scan <max>, %gather3A masked %reduce_max3A_204 : vector<16xf32>, vector<16xi1> -> vector<16xf32>
        %reduce_max3A_206 = vector.extract %reduce_max3A_205[15] : f32 from vector<16xf32>
        %sub3A = vector.broadcast %reduce_max3A_206 : f32 to vector<16xf32>
        %sub3A_207 = arith.subf %gather3A, %sub3A : vector<16xf32>
        %exp3A = math.exp %sub3A_207 : vector<16xf32>
        %reduce_sum3A = arith.constant true
        %reduce_sum3A_208 = vector.broadcast %reduce_sum3A : i1 to vector<16xi1>
        %reduce_sum3A_209 = tpu.scan <sum>, %exp3A masked %reduce_sum3A_208 : vector<16xf32>, vector<16xi1> -> vector<16xf32>
        %reduce_sum3A_210 = vector.extract %reduce_sum3A_209[15] : f32 from vector<16xf32>
        %div3A = vector.broadcast %reduce_sum3A_210 : f32 to vector<16xf32>
        %div3A_211 = arith.divf %exp3A, %div3A : vector<16xf32>
        %swap3A = arith.constant 0 : index
        %swap3A_212 = tpu.vector_load %arg28[%swap3A] {strides = array<i32>} : memref<16xf32, #tpu.memory_space<vmem>>, vector<16xf32>,
        tpu.vector_store %arg28[%swap3A], %div3A_211 {strides = array<i32>} : memref<16xf32, #tpu.memory_space<vmem>>, vector<16xf32>,
        %broadcast_in_dim3A_213 = arith.constant 0.000000e+00 : f32
        %broadcast_in_dim3A_214 = vector.broadcast %broadcast_in_dim3A_213 : f32 to vector<16xf32>
        %broadcast_in_dim3A_215 = arith.constant 0.000000e+00 : f32
        %broadcast_in_dim3A_216 = vector.broadcast %broadcast_in_dim3A_215 : f32 to vector<16xf32>
        %broadcast_in_dim3A_217 = arith.constant 0 : i32
        %broadcast_in_dim3A_218 = vector.broadcast %broadcast_in_dim3A_217 : i32 to vector<16xi32>
        %gather3A_219 = tpu.vector_load_idx %arg28[%broadcast_in_dim3A_218] : memref<16xf32, #tpu.memory_space<vmem>>[vector<16xi32>], vector<16xf32>,
        %mul3A_220 = arith.constant 16 : i32
        %mul3A_221 = arith.muli %scan3A_194, %mul3A_220 : i32
        %add3A_222 = arith.constant 0 : i32
        %add3A_223 = arith.addi %mul3A_221, %add3A_222 : i32
        %get3A_224 = arith.index_cast %add3A_223 : i32 to index
        %get3A_225 = arith.constant 0 : index
        %get3A_226 = tpu.vector_load %arg26[%get3A_224, %get3A_225] {strides = array<i32>} : memref<2048x32xf32, #tpu.memory_space<vmem>>, vector<16xf32>,
        %mul3A_227 = arith.mulf %gather3A_219, %get3A_226 : vector<16xf32>
        %add3A_228 = arith.addf %broadcast_in_dim3A_214, %mul3A_227 : vector<16xf32>
        %get3A_229 = arith.index_cast %add3A_223 : i32 to index
        %get3A_230 = arith.constant 16 : index
        %get3A_231 = tpu.vector_load %arg26[%get3A_229, %get3A_230] {strides = array<i32>} : memref<2048x32xf32, #tpu.memory_space<vmem>>, vector<16xf32>,
        %mul3A_232 = arith.mulf %gather3A_219, %get3A_231 : vector<16xf32>
        %add3A_233 = arith.addf %broadcast_in_dim3A_216, %mul3A_232 : vector<16xf32>
        %broadcast_in_dim3A_234 = arith.constant 1 : i32
        %broadcast_in_dim3A_235 = vector.broadcast %broadcast_in_dim3A_234 : i32 to vector<16xi32>
        %gather3A_236 = tpu.vector_load_idx %arg28[%broadcast_in_dim3A_235] : memref<16xf32, #tpu.memory_space<vmem>>[vector<16xi32>], vector<16xf32>,
        %mul3A_237 = arith.constant 16 : i32
        %mul3A_238 = arith.muli %scan3A_194, %mul3A_237 : i32
        %add3A_239 = arith.constant 1 : i32
        %add3A_240 = arith.addi %mul3A_238, %add3A_239 : i32
        %get3A_241 = arith.index_cast %add3A_240 : i32 to index
        %get3A_242 = arith.constant 0 : index
        %get3A_243 = tpu.vector_load %arg26[%get3A_241, %get3A_242] {strides = array<i32>} : memref<2048x32xf32, #tpu.memory_space<vmem>>, vector<16xf32>,
        %mul3A_244 = arith.mulf %gather3A_236, %get3A_243 : vector<16xf32>
        %add3A_245 = arith.addf %add3A_228, %mul3A_244 : vector<16xf32>
        %get3A_246 = arith.index_cast %add3A_240 : i32 to index
        %get3A_247 = arith.constant 16 : index
        %get3A_248 = tpu.vector_load %arg26[%get3A_246, %get3A_247] {strides = array<i32>} : memref<2048x32xf32, #tpu.memory_space<vmem>>, vector<16xf32>,
        %mul3A_249 = arith.mulf %gather3A_236, %get3A_248 : vector<16xf32>
        %add3A_250 = arith.addf %add3A_233, %mul3A_249 : vector<16xf32>
        %broadcast_in_dim3A_251 = arith.constant 2 : i32
        %broadcast_in_dim3A_252 = vector.broadcast %broadcast_in_dim3A_251 : i32 to vector<16xi32>
        %gather3A_253 = tpu.vector_load_idx %arg28[%broadcast_in_dim3A_252] : memref<16xf32, #tpu.memory_space<vmem>>[vector<16xi32>], vector<16xf32>,
        %mul3A_254 = arith.constant 16 : i32
        %mul3A_255 = arith.muli %scan3A_194, %mul3A_254 : i32
        %add3A_256 = arith.constant 2 : i32
        %add3A_257 = arith.addi %mul3A_255, %add3A_256 : i32
        %get3A_258 = arith.index_cast %add3A_257 : i32 to index
        %get3A_259 = arith.constant 0 : index
        %get3A_260 = tpu.vector_load %arg26[%get3A_258, %get3A_259] {strides = array<i32>} : memref<2048x32xf32, #tpu.memory_space<vmem>>, vector<16xf32>,
        %mul3A_261 = arith.mulf %gather3A_253, %get3A_260 : vector<16xf32>
        %add3A_262 = arith.addf %add3A_245, %mul3A_261 : vector<16xf32>
        %get3A_263 = arith.index_cast %add3A_257 : i32 to index
        %get3A_264 = arith.constant 16 : index
        %get3A_265 = tpu.vector_load %arg26[%get3A_263, %get3A_264] {strides = array<i32>} : memref<2048x32xf32, #tpu.memory_space<vmem>>, vector<16xf32>,
        %mul3A_266 = arith.mulf %gather3A_253, %get3A_265 : vector<16xf32>
        %add3A_267 = arith.addf %add3A_250, %mul3A_266 : vector<16xf32>
        %broadcast_in_dim3A_268 = arith.constant 3 : i32
        %broadcast_in_dim3A_269 = vector.broadcast %broadcast_in_dim3A_268 : i32 to vector<16xi32>
        %gather3A_270 = tpu.vector_load_idx %arg28[%broadcast_in_dim3A_269] : memref<16xf32, #tpu.memory_space<vmem>>[vector<16xi32>], vector<16xf32>,
        %mul3A_271 = arith.constant 16 : i32
        %mul3A_272 = arith.muli %scan3A_194, %mul3A_271 : i32
        %add3A_273 = arith.constant 3 : i32
        %add3A_274 = arith.addi %mul3A_272, %add3A_273 : i32
        %get3A_275 = arith.index_cast %add3A_274 : i32 to index
        %get3A_276 = arith.constant 0 : index
        %get3A_277 = tpu.vector_load %arg26[%get3A_275, %get3A_276] {strides = array<i32>} : memref<2048x32xf32, #tpu.memory_space<vmem>>, vector<16xf32>,
        %mul3A_278 = arith.mulf %gather3A_270, %get3A_277 : vector<16xf32>
        %add3A_279 = arith.addf %add3A_262, %mul3A_278 : vector<16xf32>
        %get3A_280 = arith.index_cast %add3A_274 : i32 to index
        %get3A_281 = arith.constant 16 : index
        %get3A_282 = tpu.vector_load %arg26[%get3A_280, %get3A_281] {strides = array<i32>} : memref<2048x32xf32, #tpu.memory_space<vmem>>, vector<16xf32>,
        %mul3A_283 = arith.mulf %gather3A_270, %get3A_282 : vector<16xf32>
        %add3A_284 = arith.addf %add3A_267, %mul3A_283 : vector<16xf32>
        %broadcast_in_dim3A_285 = arith.constant 4 : i32
        %broadcast_in_dim3A_286 = vector.broadcast %broadcast_in_dim3A_285 : i32 to vector<16xi32>
        %gather3A_287 = tpu.vector_load_idx %arg28[%broadcast_in_dim3A_286] : memref<16xf32, #tpu.memory_space<vmem>>[vector<16xi32>], vector<16xf32>,
        %mul3A_288 = arith.constant 16 : i32
        %mul3A_289 = arith.muli %scan3A_194, %mul3A_288 : i32
        %add3A_290 = arith.constant 4 : i32
        %add3A_291 = arith.addi %mul3A_289, %add3A_290 : i32
        %get3A_292 = arith.index_cast %add3A_291 : i32 to index
        %get3A_293 = arith.constant 0 : index
        %get3A_294 = tpu.vector_load %arg26[%get3A_292, %get3A_293] {strides = array<i32>} : memref<2048x32xf32, #tpu.memory_space<vmem>>, vector<16xf32>,
        %mul3A_295 = arith.mulf %gather3A_287, %get3A_294 : vector<16xf32>
        %add3A_296 = arith.addf %add3A_279, %mul3A_295 : vector<16xf32>
        %get3A_297 = arith.index_cast %add3A_291 : i32 to index
        %get3A_298 = arith.constant 16 : index
        %get3A_299 = tpu.vector_load %arg26[%get3A_297, %get3A_298] {strides = array<i32>} : memref<2048x32xf32, #tpu.memory_space<vmem>>, vector<16xf32>,
        %mul3A_300 = arith.mulf %gather3A_287, %get3A_299 : vector<16xf32>
        %add3A_301 = arith.addf %add3A_284, %mul3A_300 : vector<16xf32>
        %broadcast_in_dim3A_302 = arith.constant 5 : i32
        %broadcast_in_dim3A_303 = vector.broadcast %broadcast_in_dim3A_302 : i32 to vector<16xi32>
        %gather3A_304 = tpu.vector_load_idx %arg28[%broadcast_in_dim3A_303] : memref<16xf32, #tpu.memory_space<vmem>>[vector<16xi32>], vector<16xf32>,
        %mul3A_305 = arith.constant 16 : i32
        %mul3A_306 = arith.muli %scan3A_194, %mul3A_305 : i32
        %add3A_307 = arith.constant 5 : i32
        %add3A_308 = arith.addi %mul3A_306, %add3A_307 : i32
        %get3A_309 = arith.index_cast %add3A_308 : i32 to index
        %get3A_310 = arith.constant 0 : index
        %get3A_311 = tpu.vector_load %arg26[%get3A_309, %get3A_310] {strides = array<i32>} : memref<2048x32xf32, #tpu.memory_space<vmem>>, vector<16xf32>,
        %mul3A_312 = arith.mulf %gather3A_304, %get3A_311 : vector<16xf32>
        %add3A_313 = arith.addf %add3A_296, %mul3A_312 : vector<16xf32>
        %get3A_314 = arith.index_cast %add3A_308 : i32 to index
        %get3A_315 = arith.constant 16 : index
        %get3A_316 = tpu.vector_load %arg26[%get3A_314, %get3A_315] {strides = array<i32>} : memref<2048x32xf32, #tpu.memory_space<vmem>>, vector<16xf32>,
        %mul3A_317 = arith.mulf %gather3A_304, %get3A_316 : vector<16xf32>
        %add3A_318 = arith.addf %add3A_301, %mul3A_317 : vector<16xf32>
        %broadcast_in_dim3A_319 = arith.constant 6 : i32
        %broadcast_in_dim3A_320 = vector.broadcast %broadcast_in_dim3A_319 : i32 to vector<16xi32>
        %gather3A_321 = tpu.vector_load_idx %arg28[%broadcast_in_dim3A_320] : memref<16xf32, #tpu.memory_space<vmem>>[vector<16xi32>], vector<16xf32>,
        %mul3A_322 = arith.constant 16 : i32
        %mul3A_323 = arith.muli %scan3A_194, %mul3A_322 : i32
        %add3A_324 = arith.constant 6 : i32
        %add3A_325 = arith.addi %mul3A_323, %add3A_324 : i32
        %get3A_326 = arith.index_cast %add3A_325 : i32 to index
        %get3A_327 = arith.constant 0 : index
        %get3A_328 = tpu.vector_load %arg26[%get3A_326, %get3A_327] {strides = array<i32>} : memref<2048x32xf32, #tpu.memory_space<vmem>>, vector<16xf32>,
        %mul3A_329 = arith.mulf %gather3A_321, %get3A_328 : vector<16xf32>
        %add3A_330 = arith.addf %add3A_313, %mul3A_329 : vector<16xf32>
        %get3A_331 = arith.index_cast %add3A_325 : i32 to index
        %get3A_332 = arith.constant 16 : index
        %get3A_333 = tpu.vector_load %arg26[%get3A_331, %get3A_332] {strides = array<i32>} : memref<2048x32xf32, #tpu.memory_space<vmem>>, vector<16xf32>,
        %mul3A_334 = arith.mulf %gather3A_321, %get3A_333 : vector<16xf32>
        %add3A_335 = arith.addf %add3A_318, %mul3A_334 : vector<16xf32>
        %broadcast_in_dim3A_336 = arith.constant 7 : i32
        %broadcast_in_dim3A_337 = vector.broadcast %broadcast_in_dim3A_336 : i32 to vector<16xi32>
        %gather3A_338 = tpu.vector_load_idx %arg28[%broadcast_in_dim3A_337] : memref<16xf32, #tpu.memory_space<vmem>>[vector<16xi32>], vector<16xf32>,
        %mul3A_339 = arith.constant 16 : i32
        %mul3A_340 = arith.muli %scan3A_194, %mul3A_339 : i32
        %add3A_341 = arith.constant 7 : i32
        %add3A_342 = arith.addi %mul3A_340, %add3A_341 : i32
        %get3A_343 = arith.index_cast %add3A_342 : i32 to index
        %get3A_344 = arith.constant 0 : index
        %get3A_345 = tpu.vector_load %arg26[%get3A_343, %get3A_344] {strides = array<i32>} : memref<2048x32xf32, #tpu.memory_space<vmem>>, vector<16xf32>,
        %mul3A_346 = arith.mulf %gather3A_338, %get3A_345 : vector<16xf32>
        %add3A_347 = arith.addf %add3A_330, %mul3A_346 : vector<16xf32>
        %get3A_348 = arith.index_cast %add3A_342 : i32 to index
        %get3A_349 = arith.constant 16 : index
        %get3A_350 = tpu.vector_load %arg26[%get3A_348, %get3A_349] {strides = array<i32>} : memref<2048x32xf32, #tpu.memory_space<vmem>>, vector<16xf32>,
        %mul3A_351 = arith.mulf %gather3A_338, %get3A_350 : vector<16xf32>
        %add3A_352 = arith.addf %add3A_335, %mul3A_351 : vector<16xf32>
        %broadcast_in_dim3A_353 = arith.constant 8 : i32
        %broadcast_in_dim3A_354 = vector.broadcast %broadcast_in_dim3A_353 : i32 to vector<16xi32>
        %gather3A_355 = tpu.vector_load_idx %arg28[%broadcast_in_dim3A_354] : memref<16xf32, #tpu.memory_space<vmem>>[vector<16xi32>], vector<16xf32>,
        %mul3A_356 = arith.constant 16 : i32
        %mul3A_357 = arith.muli %scan3A_194, %mul3A_356 : i32
        %add3A_358 = arith.constant 8 : i32
        %add3A_359 = arith.addi %mul3A_357, %add3A_358 : i32
        %get3A_360 = arith.index_cast %add3A_359 : i32 to index
        %get3A_361 = arith.constant 0 : index
        %get3A_362 = tpu.vector_load %arg26[%get3A_360, %get3A_361] {strides = array<i32>} : memref<2048x32xf32, #tpu.memory_space<vmem>>, vector<16xf32>,
        %mul3A_363 = arith.mulf %gather3A_355, %get3A_362 : vector<16xf32>
        %add3A_364 = arith.addf %add3A_347, %mul3A_363 : vector<16xf32>
        %get3A_365 = arith.index_cast %add3A_359 : i32 to index
        %get3A_366 = arith.constant 16 : index
        %get3A_367 = tpu.vector_load %arg26[%get3A_365, %get3A_366] {strides = array<i32>} : memref<2048x32xf32, #tpu.memory_space<vmem>>, vector<16xf32>,
        %mul3A_368 = arith.mulf %gather3A_355, %get3A_367 : vector<16xf32>
        %add3A_369 = arith.addf %add3A_352, %mul3A_368 : vector<16xf32>
        %broadcast_in_dim3A_370 = arith.constant 9 : i32
        %broadcast_in_dim3A_371 = vector.broadcast %broadcast_in_dim3A_370 : i32 to vector<16xi32>
        %gather3A_372 = tpu.vector_load_idx %arg28[%broadcast_in_dim3A_371] : memref<16xf32, #tpu.memory_space<vmem>>[vector<16xi32>], vector<16xf32>,
        %mul3A_373 = arith.constant 16 : i32
        %mul3A_374 = arith.muli %scan3A_194, %mul3A_373 : i32
        %add3A_375 = arith.constant 9 : i32
        %add3A_376 = arith.addi %mul3A_374, %add3A_375 : i32
        %get3A_377 = arith.index_cast %add3A_376 : i32 to index
        %get3A_378 = arith.constant 0 : index
        %get3A_379 = tpu.vector_load %arg26[%get3A_377, %get3A_378] {strides = array<i32>} : memref<2048x32xf32, #tpu.memory_space<vmem>>, vector<16xf32>,
        %mul3A_380 = arith.mulf %gather3A_372, %get3A_379 : vector<16xf32>
        %add3A_381 = arith.addf %add3A_364, %mul3A_380 : vector<16xf32>
        %get3A_382 = arith.index_cast %add3A_376 : i32 to index
        %get3A_383 = arith.constant 16 : index
        %get3A_384 = tpu.vector_load %arg26[%get3A_382, %get3A_383] {strides = array<i32>} : memref<2048x32xf32, #tpu.memory_space<vmem>>, vector<16xf32>,
        %mul3A_385 = arith.mulf %gather3A_372, %get3A_384 : vector<16xf32>
        %add3A_386 = arith.addf %add3A_369, %mul3A_385 : vector<16xf32>
        %broadcast_in_dim3A_387 = arith.constant 10 : i32
        %broadcast_in_dim3A_388 = vector.broadcast %broadcast_in_dim3A_387 : i32 to vector<16xi32>
        %gather3A_389 = tpu.vector_load_idx %arg28[%broadcast_in_dim3A_388] : memref<16xf32, #tpu.memory_space<vmem>>[vector<16xi32>], vector<16xf32>,
        %mul3A_390 = arith.constant 16 : i32
        %mul3A_391 = arith.muli %scan3A_194, %mul3A_390 : i32
        %add3A_392 = arith.constant 10 : i32
        %add3A_393 = arith.addi %mul3A_391, %add3A_392 : i32
        %get3A_394 = arith.index_cast %add3A_393 : i32 to index
        %get3A_395 = arith.constant 0 : index
        %get3A_396 = tpu.vector_load %arg26[%get3A_394, %get3A_395] {strides = array<i32>} : memref<2048x32xf32, #tpu.memory_space<vmem>>, vector<16xf32>,
        %mul3A_397 = arith.mulf %gather3A_389, %get3A_396 : vector<16xf32>
        %add3A_398 = arith.addf %add3A_381, %mul3A_397 : vector<16xf32>
        %get3A_399 = arith.index_cast %add3A_393 : i32 to index
        %get3A_400 = arith.constant 16 : index
        %get3A_401 = tpu.vector_load %arg26[%get3A_399, %get3A_400] {strides = array<i32>} : memref<2048x32xf32, #tpu.memory_space<vmem>>, vector<16xf32>,
        %mul3A_402 = arith.mulf %gather3A_389, %get3A_401 : vector<16xf32>
        %add3A_403 = arith.addf %add3A_386, %mul3A_402 : vector<16xf32>
        %broadcast_in_dim3A_404 = arith.constant 11 : i32
        %broadcast_in_dim3A_405 = vector.broadcast %broadcast_in_dim3A_404 : i32 to vector<16xi32>
        %gather3A_406 = tpu.vector_load_idx %arg28[%broadcast_in_dim3A_405] : memref<16xf32, #tpu.memory_space<vmem>>[vector<16xi32>], vector<16xf32>,
        %mul3A_407 = arith.constant 16 : i32
        %mul3A_408 = arith.muli %scan3A_194, %mul3A_407 : i32
        %add3A_409 = arith.constant 11 : i32
        %add3A_410 = arith.addi %mul3A_408, %add3A_409 : i32
        %get3A_411 = arith.index_cast %add3A_410 : i32 to index
        %get3A_412 = arith.constant 0 : index
        %get3A_413 = tpu.vector_load %arg26[%get3A_411, %get3A_412] {strides = array<i32>} : memref<2048x32xf32, #tpu.memory_space<vmem>>, vector<16xf32>,
        %mul3A_414 = arith.mulf %gather3A_406, %get3A_413 : vector<16xf32>
        %add3A_415 = arith.addf %add3A_398, %mul3A_414 : vector<16xf32>
        %get3A_416 = arith.index_cast %add3A_410 : i32 to index
        %get3A_417 = arith.constant 16 : index
        %get3A_418 = tpu.vector_load %arg26[%get3A_416, %get3A_417] {strides = array<i32>} : memref<2048x32xf32, #tpu.memory_space<vmem>>, vector<16xf32>,
        %mul3A_419 = arith.mulf %gather3A_406, %get3A_418 : vector<16xf32>
        %add3A_420 = arith.addf %add3A_403, %mul3A_419 : vector<16xf32>
        %broadcast_in_dim3A_421 = arith.constant 12 : i32
        %broadcast_in_dim3A_422 = vector.broadcast %broadcast_in_dim3A_421 : i32 to vector<16xi32>
        %gather3A_423 = tpu.vector_load_idx %arg28[%broadcast_in_dim3A_422] : memref<16xf32, #tpu.memory_space<vmem>>[vector<16xi32>], vector<16xf32>,
        %mul3A_424 = arith.constant 16 : i32
        %mul3A_425 = arith.muli %scan3A_194, %mul3A_424 : i32
        %add3A_426 = arith.constant 12 : i32
        %add3A_427 = arith.addi %mul3A_425, %add3A_426 : i32
        %get3A_428 = arith.index_cast %add3A_427 : i32 to index
        %get3A_429 = arith.constant 0 : index
        %get3A_430 = tpu.vector_load %arg26[%get3A_428, %get3A_429] {strides = array<i32>} : memref<2048x32xf32, #tpu.memory_space<vmem>>, vector<16xf32>,
        %mul3A_431 = arith.mulf %gather3A_423, %get3A_430 : vector<16xf32>
        %add3A_432 = arith.addf %add3A_415, %mul3A_431 : vector<16xf32>
        %get3A_433 = arith.index_cast %add3A_427 : i32 to index
        %get3A_434 = arith.constant 16 : index
        %get3A_435 = tpu.vector_load %arg26[%get3A_433, %get3A_434] {strides = array<i32>} : memref<2048x32xf32, #tpu.memory_space<vmem>>, vector<16xf32>,
        %mul3A_436 = arith.mulf %gather3A_423, %get3A_435 : vector<16xf32>
        %add3A_437 = arith.addf %add3A_420, %mul3A_436 : vector<16xf32>
        %broadcast_in_dim3A_438 = arith.constant 13 : i32
        %broadcast_in_dim3A_439 = vector.broadcast %broadcast_in_dim3A_438 : i32 to vector<16xi32>
        %gather3A_440 = tpu.vector_load_idx %arg28[%broadcast_in_dim3A_439] : memref<16xf32, #tpu.memory_space<vmem>>[vector<16xi32>], vector<16xf32>,
        %mul3A_441 = arith.constant 16 : i32
        %mul3A_442 = arith.muli %scan3A_194, %mul3A_441 : i32
        %add3A_443 = arith.constant 13 : i32
        %add3A_444 = arith.addi %mul3A_442, %add3A_443 : i32
        %get3A_445 = arith.index_cast %add3A_444 : i32 to index
        %get3A_446 = arith.constant 0 : index
        %get3A_447 = tpu.vector_load %arg26[%get3A_445, %get3A_446] {strides = array<i32>} : memref<2048x32xf32, #tpu.memory_space<vmem>>, vector<16xf32>,
        %mul3A_448 = arith.mulf %gather3A_440, %get3A_447 : vector<16xf32>
        %add3A_449 = arith.addf %add3A_432, %mul3A_448 : vector<16xf32>
        %get3A_450 = arith.index_cast %add3A_444 : i32 to index
        %get3A_451 = arith.constant 16 : index
        %get3A_452 = tpu.vector_load %arg26[%get3A_450, %get3A_451] {strides = array<i32>} : memref<2048x32xf32, #tpu.memory_space<vmem>>, vector<16xf32>,
        %mul3A_453 = arith.mulf %gather3A_440, %get3A_452 : vector<16xf32>
        %add3A_454 = arith.addf %add3A_437, %mul3A_453 : vector<16xf32>
        %broadcast_in_dim3A_455 = arith.constant 14 : i32
        %broadcast_in_dim3A_456 = vector.broadcast %broadcast_in_dim3A_455 : i32 to vector<16xi32>
        %gather3A_457 = tpu.vector_load_idx %arg28[%broadcast_in_dim3A_456] : memref<16xf32, #tpu.memory_space<vmem>>[vector<16xi32>], vector<16xf32>,
        %mul3A_458 = arith.constant 16 : i32
        %mul3A_459 = arith.muli %scan3A_194, %mul3A_458 : i32
        %add3A_460 = arith.constant 14 : i32
        %add3A_461 = arith.addi %mul3A_459, %add3A_460 : i32
        %get3A_462 = arith.index_cast %add3A_461 : i32 to index
        %get3A_463 = arith.constant 0 : index
        %get3A_464 = tpu.vector_load %arg26[%get3A_462, %get3A_463] {strides = array<i32>} : memref<2048x32xf32, #tpu.memory_space<vmem>>, vector<16xf32>,
        %mul3A_465 = arith.mulf %gather3A_457, %get3A_464 : vector<16xf32>
        %add3A_466 = arith.addf %add3A_449, %mul3A_465 : vector<16xf32>
        %get3A_467 = arith.index_cast %add3A_461 : i32 to index
        %get3A_468 = arith.constant 16 : index
        %get3A_469 = tpu.vector_load %arg26[%get3A_467, %get3A_468] {strides = array<i32>} : memref<2048x32xf32, #tpu.memory_space<vmem>>, vector<16xf32>,
        %mul3A_470 = arith.mulf %gather3A_457, %get3A_469 : vector<16xf32>
        %add3A_471 = arith.addf %add3A_454, %mul3A_470 : vector<16xf32>
        %broadcast_in_dim3A_472 = arith.constant 15 : i32
        %broadcast_in_dim3A_473 = vector.broadcast %broadcast_in_dim3A_472 : i32 to vector<16xi32>
        %gather3A_474 = tpu.vector_load_idx %arg28[%broadcast_in_dim3A_473] : memref<16xf32, #tpu.memory_space<vmem>>[vector<16xi32>], vector<16xf32>,
        %mul3A_475 = arith.constant 16 : i32
        %mul3A_476 = arith.muli %scan3A_194, %mul3A_475 : i32
        %add3A_477 = arith.constant 15 : i32
        %add3A_478 = arith.addi %mul3A_476, %add3A_477 : i32
        %get3A_479 = arith.index_cast %add3A_478 : i32 to index
        %get3A_480 = arith.constant 0 : index
        %get3A_481 = tpu.vector_load %arg26[%get3A_479, %get3A_480] {strides = array<i32>} : memref<2048x32xf32, #tpu.memory_space<vmem>>, vector<16xf32>,
        %mul3A_482 = arith.mulf %gather3A_474, %get3A_481 : vector<16xf32>
        %add3A_483 = arith.addf %add3A_466, %mul3A_482 : vector<16xf32>
        %get3A_484 = arith.index_cast %add3A_478 : i32 to index
        %get3A_485 = arith.constant 16 : index
        %get3A_486 = tpu.vector_load %arg26[%get3A_484, %get3A_485] {strides = array<i32>} : memref<2048x32xf32, #tpu.memory_space<vmem>>, vector<16xf32>,
        %mul3A_487 = arith.mulf %gather3A_474, %get3A_486 : vector<16xf32>
        %add3A_488 = arith.addf %add3A_471, %mul3A_487 : vector<16xf32>
        %swap3A_489 = arith.index_cast %scan3A_194 : i32 to index
        %swap3A_490 = arith.constant 0 : index
        %swap3A_491 = tpu.vector_load %arg27[%swap3A_489, %swap3A_490] {strides = array<i32>} : memref<128x32xf32, #tpu.memory_space<vmem>>, vector<16xf32>,
        tpu.vector_store %arg27[%swap3A_489, %swap3A_490], %add3A_483 {strides = array<i32>} : memref<128x32xf32, #tpu.memory_space<vmem>>, vector<16xf32>,
        %swap3A_492 = arith.index_cast %scan3A_194 : i32 to index
        %swap3A_493 = arith.constant 16 : index
        %swap3A_494 = tpu.vector_load %arg27[%swap3A_492, %swap3A_493] {strides = array<i32>} : memref<128x32xf32, #tpu.memory_space<vmem>>, vector<16xf32>,
        tpu.vector_store %arg27[%swap3A_492, %swap3A_493], %add3A_488 {strides = array<i32>} : memref<128x32xf32, #tpu.memory_space<vmem>>, vector<16xf32>,
      }
      %scan3A_179 = arith.constant 64 : i32
      %dma_wait3A_180 = arith.constant 1024 : i32
      %dma_wait3A_181 = arith.constant 0 : i32
      %dma_wait3A_182 = tpu.memref_slice %arg26[%dma_wait3A_180, %dma_wait3A_181] : memref<2048x32xf32, #tpu.memory_space<vmem>> -> memref<1024x32xf32, #tpu.memory_space<vmem>>
      %dma_wait3A_183 = arith.constant 1024 : i32
      %dma_wait3A_184 = tpu.memref_slice %arg25[%dma_wait3A_183] : memref<2048xi32, #tpu.memory_space<vmem>> -> memref<1024xi32, #tpu.memory_space<vmem>>
      %dma_wait3A_185 = arith.constant 0 : i32
      %dma_wait3A_186 = arith.constant 0 : i32
      %dma_wait3A_187 = tpu.memref_slice %arg6[%dma_wait3A_185, %dma_wait3A_186] : memref<1000000x32xf32, #tpu.memory_space<hbm>> -> memref<1000000x32xf32, #tpu.memory_space<hbm>>
      tpu.wait_indirect_dma semaphore(%arg29 : memref<!tpu.dma_semaphore, #tpu.memory_space<semaphore_mem>>) src(%dma_wait3A_187 : memref<1000000x32xf32, #tpu.memory_space<hbm>>) dst(%dma_wait3A_182 : memref<1024x32xf32, #tpu.memory_space<vmem>>)
      %scan3A_188 = arith.constant 0 : i32
      %scan3A_189 = arith.constant 64 : i32
      %scan3A_190 = arith.constant 64 : i32
      %scan3A_191 = arith.addi %scan3A_189, %scan3A_190 : i32
      %scan3A_192 = arith.constant 1 : i32
      scf.for %scan3A_194 = %scan3A_189 to %scan3A_191 step %scan3A_192  : i32 {
        %mul3A_195 = arith.constant 8 : i32
        %mul3A_196 = arith.muli %scan3A_42, %mul3A_195 : i32
        %shift_right_arithmetic3A = arith.constant 4 : i32
        %shift_right_arithmetic3A_197 = arith.shrsi %scan3A_194, %shift_right_arithmetic3A : i32
        %add3A_198 = arith.addi %mul3A_196, %shift_right_arithmetic3A_197 : i32
        %get3A = arith.index_cast %scan3A_194 : i32 to index
        %get3A_199 = arith.constant 0 : index
        %get3A_200 = tpu.vector_load %arg24[%get3A, %get3A_199] {strides = array<i32>} : memref<128x16xi32, #tpu.memory_space<vmem>>, vector<16xi32>,
        %broadcast_in_dim3A = arith.constant 0 : i32
        %broadcast_in_dim3A_201 = vector.broadcast %broadcast_in_dim3A : i32 to vector<16xi32>
        %add3A_202 = vector.broadcast %add3A_198 : i32 to vector<16xi32>
        %add3A_203 = arith.addi %broadcast_in_dim3A_201, %add3A_202 : vector<16xi32>
        %gather3A = tpu.vector_load_idx %arg20[%add3A_203, %get3A_200] : memref<128x32xf32, #tpu.memory_space<vmem>>[vector<16xi32>, vector<16xi32>], vector<16xf32>,
        %reduce_max3A = arith.constant true
        %reduce_max3A_204 = vector.broadcast %reduce_max3A : i1 to vector<16xi1>
        %reduce_max3A_205 = tpu.scan <max>, %gather3A masked %reduce_max3A_204 : vector<16xf32>, vector<16xi1> -> vector<16xf32>
        %reduce_max3A_206 = vector.extract %reduce_max3A_205[15] : f32 from vector<16xf32>
        %sub3A = vector.broadcast %reduce_max3A_206 : f32 to vector<16xf32>
        %sub3A_207 = arith.subf %gather3A, %sub3A : vector<16xf32>
        %exp3A = math.exp %sub3A_207 : vector<16xf32>
        %reduce_sum3A = arith.constant true
        %reduce_sum3A_208 = vector.broadcast %reduce_sum3A : i1 to vector<16xi1>
        %reduce_sum3A_209 = tpu.scan <sum>, %exp3A masked %reduce_sum3A_208 : vector<16xf32>, vector<16xi1> -> vector<16xf32>
        %reduce_sum3A_210 = vector.extract %reduce_sum3A_209[15] : f32 from vector<16xf32>
        %div3A = vector.broadcast %reduce_sum3A_210 : f32 to vector<16xf32>
        %div3A_211 = arith.divf %exp3A, %div3A : vector<16xf32>
        %swap3A = arith.constant 0 : index
        %swap3A_212 = tpu.vector_load %arg28[%swap3A] {strides = array<i32>} : memref<16xf32, #tpu.memory_space<vmem>>, vector<16xf32>,
        tpu.vector_store %arg28[%swap3A], %div3A_211 {strides = array<i32>} : memref<16xf32, #tpu.memory_space<vmem>>, vector<16xf32>,
        %broadcast_in_dim3A_213 = arith.constant 0.000000e+00 : f32
        %broadcast_in_dim3A_214 = vector.broadcast %broadcast_in_dim3A_213 : f32 to vector<16xf32>
        %broadcast_in_dim3A_215 = arith.constant 0.000000e+00 : f32
        %broadcast_in_dim3A_216 = vector.broadcast %broadcast_in_dim3A_215 : f32 to vector<16xf32>
        %broadcast_in_dim3A_217 = arith.constant 0 : i32
        %broadcast_in_dim3A_218 = vector.broadcast %broadcast_in_dim3A_217 : i32 to vector<16xi32>
        %gather3A_219 = tpu.vector_load_idx %arg28[%broadcast_in_dim3A_218] : memref<16xf32, #tpu.memory_space<vmem>>[vector<16xi32>], vector<16xf32>,
        %mul3A_220 = arith.constant 16 : i32
        %mul3A_221 = arith.muli %scan3A_194, %mul3A_220 : i32
        %add3A_222 = arith.constant 0 : i32
        %add3A_223 = arith.addi %mul3A_221, %add3A_222 : i32
        %get3A_224 = arith.index_cast %add3A_223 : i32 to index
        %get3A_225 = arith.constant 0 : index
        %get3A_226 = tpu.vector_load %arg26[%get3A_224, %get3A_225] {strides = array<i32>} : memref<2048x32xf32, #tpu.memory_space<vmem>>, vector<16xf32>,
        %mul3A_227 = arith.mulf %gather3A_219, %get3A_226 : vector<16xf32>
        %add3A_228 = arith.addf %broadcast_in_dim3A_214, %mul3A_227 : vector<16xf32>
        %get3A_229 = arith.index_cast %add3A_223 : i32 to index
        %get3A_230 = arith.constant 16 : index
        %get3A_231 = tpu.vector_load %arg26[%get3A_229, %get3A_230] {strides = array<i32>} : memref<2048x32xf32, #tpu.memory_space<vmem>>, vector<16xf32>,
        %mul3A_232 = arith.mulf %gather3A_219, %get3A_231 : vector<16xf32>
        %add3A_233 = arith.addf %broadcast_in_dim3A_216, %mul3A_232 : vector<16xf32>
        %broadcast_in_dim3A_234 = arith.constant 1 : i32
        %broadcast_in_dim3A_235 = vector.broadcast %broadcast_in_dim3A_234 : i32 to vector<16xi32>
        %gather3A_236 = tpu.vector_load_idx %arg28[%broadcast_in_dim3A_235] : memref<16xf32, #tpu.memory_space<vmem>>[vector<16xi32>], vector<16xf32>,
        %mul3A_237 = arith.constant 16 : i32
        %mul3A_238 = arith.muli %scan3A_194, %mul3A_237 : i32
        %add3A_239 = arith.constant 1 : i32
        %add3A_240 = arith.addi %mul3A_238, %add3A_239 : i32
        %get3A_241 = arith.index_cast %add3A_240 : i32 to index
        %get3A_242 = arith.constant 0 : index
        %get3A_243 = tpu.vector_load %arg26[%get3A_241, %get3A_242] {strides = array<i32>} : memref<2048x32xf32, #tpu.memory_space<vmem>>, vector<16xf32>,
        %mul3A_244 = arith.mulf %gather3A_236, %get3A_243 : vector<16xf32>
        %add3A_245 = arith.addf %add3A_228, %mul3A_244 : vector<16xf32>
        %get3A_246 = arith.index_cast %add3A_240 : i32 to index
        %get3A_247 = arith.constant 16 : index
        %get3A_248 = tpu.vector_load %arg26[%get3A_246, %get3A_247] {strides = array<i32>} : memref<2048x32xf32, #tpu.memory_space<vmem>>, vector<16xf32>,
        %mul3A_249 = arith.mulf %gather3A_236, %get3A_248 : vector<16xf32>
        %add3A_250 = arith.addf %add3A_233, %mul3A_249 : vector<16xf32>
        %broadcast_in_dim3A_251 = arith.constant 2 : i32
        %broadcast_in_dim3A_252 = vector.broadcast %broadcast_in_dim3A_251 : i32 to vector<16xi32>
        %gather3A_253 = tpu.vector_load_idx %arg28[%broadcast_in_dim3A_252] : memref<16xf32, #tpu.memory_space<vmem>>[vector<16xi32>], vector<16xf32>,
        %mul3A_254 = arith.constant 16 : i32
        %mul3A_255 = arith.muli %scan3A_194, %mul3A_254 : i32
        %add3A_256 = arith.constant 2 : i32
        %add3A_257 = arith.addi %mul3A_255, %add3A_256 : i32
        %get3A_258 = arith.index_cast %add3A_257 : i32 to index
        %get3A_259 = arith.constant 0 : index
        %get3A_260 = tpu.vector_load %arg26[%get3A_258, %get3A_259] {strides = array<i32>} : memref<2048x32xf32, #tpu.memory_space<vmem>>, vector<16xf32>,
        %mul3A_261 = arith.mulf %gather3A_253, %get3A_260 : vector<16xf32>
        %add3A_262 = arith.addf %add3A_245, %mul3A_261 : vector<16xf32>
        %get3A_263 = arith.index_cast %add3A_257 : i32 to index
        %get3A_264 = arith.constant 16 : index
        %get3A_265 = tpu.vector_load %arg26[%get3A_263, %get3A_264] {strides = array<i32>} : memref<2048x32xf32, #tpu.memory_space<vmem>>, vector<16xf32>,
        %mul3A_266 = arith.mulf %gather3A_253, %get3A_265 : vector<16xf32>
        %add3A_267 = arith.addf %add3A_250, %mul3A_266 : vector<16xf32>
        %broadcast_in_dim3A_268 = arith.constant 3 : i32
        %broadcast_in_dim3A_269 = vector.broadcast %broadcast_in_dim3A_268 : i32 to vector<16xi32>
        %gather3A_270 = tpu.vector_load_idx %arg28[%broadcast_in_dim3A_269] : memref<16xf32, #tpu.memory_space<vmem>>[vector<16xi32>], vector<16xf32>,
        %mul3A_271 = arith.constant 16 : i32
        %mul3A_272 = arith.muli %scan3A_194, %mul3A_271 : i32
        %add3A_273 = arith.constant 3 : i32
        %add3A_274 = arith.addi %mul3A_272, %add3A_273 : i32
        %get3A_275 = arith.index_cast %add3A_274 : i32 to index
        %get3A_276 = arith.constant 0 : index
        %get3A_277 = tpu.vector_load %arg26[%get3A_275, %get3A_276] {strides = array<i32>} : memref<2048x32xf32, #tpu.memory_space<vmem>>, vector<16xf32>,
        %mul3A_278 = arith.mulf %gather3A_270, %get3A_277 : vector<16xf32>
        %add3A_279 = arith.addf %add3A_262, %mul3A_278 : vector<16xf32>
        %get3A_280 = arith.index_cast %add3A_274 : i32 to index
        %get3A_281 = arith.constant 16 : index
        %get3A_282 = tpu.vector_load %arg26[%get3A_280, %get3A_281] {strides = array<i32>} : memref<2048x32xf32, #tpu.memory_space<vmem>>, vector<16xf32>,
        %mul3A_283 = arith.mulf %gather3A_270, %get3A_282 : vector<16xf32>
        %add3A_284 = arith.addf %add3A_267, %mul3A_283 : vector<16xf32>
        %broadcast_in_dim3A_285 = arith.constant 4 : i32
        %broadcast_in_dim3A_286 = vector.broadcast %broadcast_in_dim3A_285 : i32 to vector<16xi32>
        %gather3A_287 = tpu.vector_load_idx %arg28[%broadcast_in_dim3A_286] : memref<16xf32, #tpu.memory_space<vmem>>[vector<16xi32>], vector<16xf32>,
        %mul3A_288 = arith.constant 16 : i32
        %mul3A_289 = arith.muli %scan3A_194, %mul3A_288 : i32
        %add3A_290 = arith.constant 4 : i32
        %add3A_291 = arith.addi %mul3A_289, %add3A_290 : i32
        %get3A_292 = arith.index_cast %add3A_291 : i32 to index
        %get3A_293 = arith.constant 0 : index
        %get3A_294 = tpu.vector_load %arg26[%get3A_292, %get3A_293] {strides = array<i32>} : memref<2048x32xf32, #tpu.memory_space<vmem>>, vector<16xf32>,
        %mul3A_295 = arith.mulf %gather3A_287, %get3A_294 : vector<16xf32>
        %add3A_296 = arith.addf %add3A_279, %mul3A_295 : vector<16xf32>
        %get3A_297 = arith.index_cast %add3A_291 : i32 to index
        %get3A_298 = arith.constant 16 : index
        %get3A_299 = tpu.vector_load %arg26[%get3A_297, %get3A_298] {strides = array<i32>} : memref<2048x32xf32, #tpu.memory_space<vmem>>, vector<16xf32>,
        %mul3A_300 = arith.mulf %gather3A_287, %get3A_299 : vector<16xf32>
        %add3A_301 = arith.addf %add3A_284, %mul3A_300 : vector<16xf32>
        %broadcast_in_dim3A_302 = arith.constant 5 : i32
        %broadcast_in_dim3A_303 = vector.broadcast %broadcast_in_dim3A_302 : i32 to vector<16xi32>
        %gather3A_304 = tpu.vector_load_idx %arg28[%broadcast_in_dim3A_303] : memref<16xf32, #tpu.memory_space<vmem>>[vector<16xi32>], vector<16xf32>,
        %mul3A_305 = arith.constant 16 : i32
        %mul3A_306 = arith.muli %scan3A_194, %mul3A_305 : i32
        %add3A_307 = arith.constant 5 : i32
        %add3A_308 = arith.addi %mul3A_306, %add3A_307 : i32
        %get3A_309 = arith.index_cast %add3A_308 : i32 to index
        %get3A_310 = arith.constant 0 : index
        %get3A_311 = tpu.vector_load %arg26[%get3A_309, %get3A_310] {strides = array<i32>} : memref<2048x32xf32, #tpu.memory_space<vmem>>, vector<16xf32>,
        %mul3A_312 = arith.mulf %gather3A_304, %get3A_311 : vector<16xf32>
        %add3A_313 = arith.addf %add3A_296, %mul3A_312 : vector<16xf32>
        %get3A_314 = arith.index_cast %add3A_308 : i32 to index
        %get3A_315 = arith.constant 16 : index
        %get3A_316 = tpu.vector_load %arg26[%get3A_314, %get3A_315] {strides = array<i32>} : memref<2048x32xf32, #tpu.memory_space<vmem>>, vector<16xf32>,
        %mul3A_317 = arith.mulf %gather3A_304, %get3A_316 : vector<16xf32>
        %add3A_318 = arith.addf %add3A_301, %mul3A_317 : vector<16xf32>
        %broadcast_in_dim3A_319 = arith.constant 6 : i32
        %broadcast_in_dim3A_320 = vector.broadcast %broadcast_in_dim3A_319 : i32 to vector<16xi32>
        %gather3A_321 = tpu.vector_load_idx %arg28[%broadcast_in_dim3A_320] : memref<16xf32, #tpu.memory_space<vmem>>[vector<16xi32>], vector<16xf32>,
        %mul3A_322 = arith.constant 16 : i32
        %mul3A_323 = arith.muli %scan3A_194, %mul3A_322 : i32
        %add3A_324 = arith.constant 6 : i32
        %add3A_325 = arith.addi %mul3A_323, %add3A_324 : i32
        %get3A_326 = arith.index_cast %add3A_325 : i32 to index
        %get3A_327 = arith.constant 0 : index
        %get3A_328 = tpu.vector_load %arg26[%get3A_326, %get3A_327] {strides = array<i32>} : memref<2048x32xf32, #tpu.memory_space<vmem>>, vector<16xf32>,
        %mul3A_329 = arith.mulf %gather3A_321, %get3A_328 : vector<16xf32>
        %add3A_330 = arith.addf %add3A_313, %mul3A_329 : vector<16xf32>
        %get3A_331 = arith.index_cast %add3A_325 : i32 to index
        %get3A_332 = arith.constant 16 : index
        %get3A_333 = tpu.vector_load %arg26[%get3A_331, %get3A_332] {strides = array<i32>} : memref<2048x32xf32, #tpu.memory_space<vmem>>, vector<16xf32>,
        %mul3A_334 = arith.mulf %gather3A_321, %get3A_333 : vector<16xf32>
        %add3A_335 = arith.addf %add3A_318, %mul3A_334 : vector<16xf32>
        %broadcast_in_dim3A_336 = arith.constant 7 : i32
        %broadcast_in_dim3A_337 = vector.broadcast %broadcast_in_dim3A_336 : i32 to vector<16xi32>
        %gather3A_338 = tpu.vector_load_idx %arg28[%broadcast_in_dim3A_337] : memref<16xf32, #tpu.memory_space<vmem>>[vector<16xi32>], vector<16xf32>,
        %mul3A_339 = arith.constant 16 : i32
        %mul3A_340 = arith.muli %scan3A_194, %mul3A_339 : i32
        %add3A_341 = arith.constant 7 : i32
        %add3A_342 = arith.addi %mul3A_340, %add3A_341 : i32
        %get3A_343 = arith.index_cast %add3A_342 : i32 to index
        %get3A_344 = arith.constant 0 : index
        %get3A_345 = tpu.vector_load %arg26[%get3A_343, %get3A_344] {strides = array<i32>} : memref<2048x32xf32, #tpu.memory_space<vmem>>, vector<16xf32>,
        %mul3A_346 = arith.mulf %gather3A_338, %get3A_345 : vector<16xf32>
        %add3A_347 = arith.addf %add3A_330, %mul3A_346 : vector<16xf32>
        %get3A_348 = arith.index_cast %add3A_342 : i32 to index
        %get3A_349 = arith.constant 16 : index
        %get3A_350 = tpu.vector_load %arg26[%get3A_348, %get3A_349] {strides = array<i32>} : memref<2048x32xf32, #tpu.memory_space<vmem>>, vector<16xf32>,
        %mul3A_351 = arith.mulf %gather3A_338, %get3A_350 : vector<16xf32>
        %add3A_352 = arith.addf %add3A_335, %mul3A_351 : vector<16xf32>
        %broadcast_in_dim3A_353 = arith.constant 8 : i32
        %broadcast_in_dim3A_354 = vector.broadcast %broadcast_in_dim3A_353 : i32 to vector<16xi32>
        %gather3A_355 = tpu.vector_load_idx %arg28[%broadcast_in_dim3A_354] : memref<16xf32, #tpu.memory_space<vmem>>[vector<16xi32>], vector<16xf32>,
        %mul3A_356 = arith.constant 16 : i32
        %mul3A_357 = arith.muli %scan3A_194, %mul3A_356 : i32
        %add3A_358 = arith.constant 8 : i32
        %add3A_359 = arith.addi %mul3A_357, %add3A_358 : i32
        %get3A_360 = arith.index_cast %add3A_359 : i32 to index
        %get3A_361 = arith.constant 0 : index
        %get3A_362 = tpu.vector_load %arg26[%get3A_360, %get3A_361] {strides = array<i32>} : memref<2048x32xf32, #tpu.memory_space<vmem>>, vector<16xf32>,
        %mul3A_363 = arith.mulf %gather3A_355, %get3A_362 : vector<16xf32>
        %add3A_364 = arith.addf %add3A_347, %mul3A_363 : vector<16xf32>
        %get3A_365 = arith.index_cast %add3A_359 : i32 to index
        %get3A_366 = arith.constant 16 : index
        %get3A_367 = tpu.vector_load %arg26[%get3A_365, %get3A_366] {strides = array<i32>} : memref<2048x32xf32, #tpu.memory_space<vmem>>, vector<16xf32>,
        %mul3A_368 = arith.mulf %gather3A_355, %get3A_367 : vector<16xf32>
        %add3A_369 = arith.addf %add3A_352, %mul3A_368 : vector<16xf32>
        %broadcast_in_dim3A_370 = arith.constant 9 : i32
        %broadcast_in_dim3A_371 = vector.broadcast %broadcast_in_dim3A_370 : i32 to vector<16xi32>
        %gather3A_372 = tpu.vector_load_idx %arg28[%broadcast_in_dim3A_371] : memref<16xf32, #tpu.memory_space<vmem>>[vector<16xi32>], vector<16xf32>,
        %mul3A_373 = arith.constant 16 : i32
        %mul3A_374 = arith.muli %scan3A_194, %mul3A_373 : i32
        %add3A_375 = arith.constant 9 : i32
        %add3A_376 = arith.addi %mul3A_374, %add3A_375 : i32
        %get3A_377 = arith.index_cast %add3A_376 : i32 to index
        %get3A_378 = arith.constant 0 : index
        %get3A_379 = tpu.vector_load %arg26[%get3A_377, %get3A_378] {strides = array<i32>} : memref<2048x32xf32, #tpu.memory_space<vmem>>, vector<16xf32>,
        %mul3A_380 = arith.mulf %gather3A_372, %get3A_379 : vector<16xf32>
        %add3A_381 = arith.addf %add3A_364, %mul3A_380 : vector<16xf32>
        %get3A_382 = arith.index_cast %add3A_376 : i32 to index
        %get3A_383 = arith.constant 16 : index
        %get3A_384 = tpu.vector_load %arg26[%get3A_382, %get3A_383] {strides = array<i32>} : memref<2048x32xf32, #tpu.memory_space<vmem>>, vector<16xf32>,
        %mul3A_385 = arith.mulf %gather3A_372, %get3A_384 : vector<16xf32>
        %add3A_386 = arith.addf %add3A_369, %mul3A_385 : vector<16xf32>
        %broadcast_in_dim3A_387 = arith.constant 10 : i32
        %broadcast_in_dim3A_388 = vector.broadcast %broadcast_in_dim3A_387 : i32 to vector<16xi32>
        %gather3A_389 = tpu.vector_load_idx %arg28[%broadcast_in_dim3A_388] : memref<16xf32, #tpu.memory_space<vmem>>[vector<16xi32>], vector<16xf32>,
        %mul3A_390 = arith.constant 16 : i32
        %mul3A_391 = arith.muli %scan3A_194, %mul3A_390 : i32
        %add3A_392 = arith.constant 10 : i32
        %add3A_393 = arith.addi %mul3A_391, %add3A_392 : i32
        %get3A_394 = arith.index_cast %add3A_393 : i32 to index
        %get3A_395 = arith.constant 0 : index
        %get3A_396 = tpu.vector_load %arg26[%get3A_394, %get3A_395] {strides = array<i32>} : memref<2048x32xf32, #tpu.memory_space<vmem>>, vector<16xf32>,
        %mul3A_397 = arith.mulf %gather3A_389, %get3A_396 : vector<16xf32>
        %add3A_398 = arith.addf %add3A_381, %mul3A_397 : vector<16xf32>
        %get3A_399 = arith.index_cast %add3A_393 : i32 to index
        %get3A_400 = arith.constant 16 : index
        %get3A_401 = tpu.vector_load %arg26[%get3A_399, %get3A_400] {strides = array<i32>} : memref<2048x32xf32, #tpu.memory_space<vmem>>, vector<16xf32>,
        %mul3A_402 = arith.mulf %gather3A_389, %get3A_401 : vector<16xf32>
        %add3A_403 = arith.addf %add3A_386, %mul3A_402 : vector<16xf32>
        %broadcast_in_dim3A_404 = arith.constant 11 : i32
        %broadcast_in_dim3A_405 = vector.broadcast %broadcast_in_dim3A_404 : i32 to vector<16xi32>
        %gather3A_406 = tpu.vector_load_idx %arg28[%broadcast_in_dim3A_405] : memref<16xf32, #tpu.memory_space<vmem>>[vector<16xi32>], vector<16xf32>,
        %mul3A_407 = arith.constant 16 : i32
        %mul3A_408 = arith.muli %scan3A_194, %mul3A_407 : i32
        %add3A_409 = arith.constant 11 : i32
        %add3A_410 = arith.addi %mul3A_408, %add3A_409 : i32
        %get3A_411 = arith.index_cast %add3A_410 : i32 to index
        %get3A_412 = arith.constant 0 : index
        %get3A_413 = tpu.vector_load %arg26[%get3A_411, %get3A_412] {strides = array<i32>} : memref<2048x32xf32, #tpu.memory_space<vmem>>, vector<16xf32>,
        %mul3A_414 = arith.mulf %gather3A_406, %get3A_413 : vector<16xf32>
        %add3A_415 = arith.addf %add3A_398, %mul3A_414 : vector<16xf32>
        %get3A_416 = arith.index_cast %add3A_410 : i32 to index
        %get3A_417 = arith.constant 16 : index
        %get3A_418 = tpu.vector_load %arg26[%get3A_416, %get3A_417] {strides = array<i32>} : memref<2048x32xf32, #tpu.memory_space<vmem>>, vector<16xf32>,
        %mul3A_419 = arith.mulf %gather3A_406, %get3A_418 : vector<16xf32>
        %add3A_420 = arith.addf %add3A_403, %mul3A_419 : vector<16xf32>
        %broadcast_in_dim3A_421 = arith.constant 12 : i32
        %broadcast_in_dim3A_422 = vector.broadcast %broadcast_in_dim3A_421 : i32 to vector<16xi32>
        %gather3A_423 = tpu.vector_load_idx %arg28[%broadcast_in_dim3A_422] : memref<16xf32, #tpu.memory_space<vmem>>[vector<16xi32>], vector<16xf32>,
        %mul3A_424 = arith.constant 16 : i32
        %mul3A_425 = arith.muli %scan3A_194, %mul3A_424 : i32
        %add3A_426 = arith.constant 12 : i32
        %add3A_427 = arith.addi %mul3A_425, %add3A_426 : i32
        %get3A_428 = arith.index_cast %add3A_427 : i32 to index
        %get3A_429 = arith.constant 0 : index
        %get3A_430 = tpu.vector_load %arg26[%get3A_428, %get3A_429] {strides = array<i32>} : memref<2048x32xf32, #tpu.memory_space<vmem>>, vector<16xf32>,
        %mul3A_431 = arith.mulf %gather3A_423, %get3A_430 : vector<16xf32>
        %add3A_432 = arith.addf %add3A_415, %mul3A_431 : vector<16xf32>
        %get3A_433 = arith.index_cast %add3A_427 : i32 to index
        %get3A_434 = arith.constant 16 : index
        %get3A_435 = tpu.vector_load %arg26[%get3A_433, %get3A_434] {strides = array<i32>} : memref<2048x32xf32, #tpu.memory_space<vmem>>, vector<16xf32>,
        %mul3A_436 = arith.mulf %gather3A_423, %get3A_435 : vector<16xf32>
        %add3A_437 = arith.addf %add3A_420, %mul3A_436 : vector<16xf32>
        %broadcast_in_dim3A_438 = arith.constant 13 : i32
        %broadcast_in_dim3A_439 = vector.broadcast %broadcast_in_dim3A_438 : i32 to vector<16xi32>
        %gather3A_440 = tpu.vector_load_idx %arg28[%broadcast_in_dim3A_439] : memref<16xf32, #tpu.memory_space<vmem>>[vector<16xi32>], vector<16xf32>,
        %mul3A_441 = arith.constant 16 : i32
        %mul3A_442 = arith.muli %scan3A_194, %mul3A_441 : i32
        %add3A_443 = arith.constant 13 : i32
        %add3A_444 = arith.addi %mul3A_442, %add3A_443 : i32
        %get3A_445 = arith.index_cast %add3A_444 : i32 to index
        %get3A_446 = arith.constant 0 : index
        %get3A_447 = tpu.vector_load %arg26[%get3A_445, %get3A_446] {strides = array<i32>} : memref<2048x32xf32, #tpu.memory_space<vmem>>, vector<16xf32>,
        %mul3A_448 = arith.mulf %gather3A_440, %get3A_447 : vector<16xf32>
        %add3A_449 = arith.addf %add3A_432, %mul3A_448 : vector<16xf32>
        %get3A_450 = arith.index_cast %add3A_444 : i32 to index
        %get3A_451 = arith.constant 16 : index
        %get3A_452 = tpu.vector_load %arg26[%get3A_450, %get3A_451] {strides = array<i32>} : memref<2048x32xf32, #tpu.memory_space<vmem>>, vector<16xf32>,
        %mul3A_453 = arith.mulf %gather3A_440, %get3A_452 : vector<16xf32>
        %add3A_454 = arith.addf %add3A_437, %mul3A_453 : vector<16xf32>
        %broadcast_in_dim3A_455 = arith.constant 14 : i32
        %broadcast_in_dim3A_456 = vector.broadcast %broadcast_in_dim3A_455 : i32 to vector<16xi32>
        %gather3A_457 = tpu.vector_load_idx %arg28[%broadcast_in_dim3A_456] : memref<16xf32, #tpu.memory_space<vmem>>[vector<16xi32>], vector<16xf32>,
        %mul3A_458 = arith.constant 16 : i32
        %mul3A_459 = arith.muli %scan3A_194, %mul3A_458 : i32
        %add3A_460 = arith.constant 14 : i32
        %add3A_461 = arith.addi %mul3A_459, %add3A_460 : i32
        %get3A_462 = arith.index_cast %add3A_461 : i32 to index
        %get3A_463 = arith.constant 0 : index
        %get3A_464 = tpu.vector_load %arg26[%get3A_462, %get3A_463] {strides = array<i32>} : memref<2048x32xf32, #tpu.memory_space<vmem>>, vector<16xf32>,
        %mul3A_465 = arith.mulf %gather3A_457, %get3A_464 : vector<16xf32>
        %add3A_466 = arith.addf %add3A_449, %mul3A_465 : vector<16xf32>
        %get3A_467 = arith.index_cast %add3A_461 : i32 to index
        %get3A_468 = arith.constant 16 : index
        %get3A_469 = tpu.vector_load %arg26[%get3A_467, %get3A_468] {strides = array<i32>} : memref<2048x32xf32, #tpu.memory_space<vmem>>, vector<16xf32>,
        %mul3A_470 = arith.mulf %gather3A_457, %get3A_469 : vector<16xf32>
        %add3A_471 = arith.addf %add3A_454, %mul3A_470 : vector<16xf32>
        %broadcast_in_dim3A_472 = arith.constant 15 : i32
        %broadcast_in_dim3A_473 = vector.broadcast %broadcast_in_dim3A_472 : i32 to vector<16xi32>
        %gather3A_474 = tpu.vector_load_idx %arg28[%broadcast_in_dim3A_473] : memref<16xf32, #tpu.memory_space<vmem>>[vector<16xi32>], vector<16xf32>,
        %mul3A_475 = arith.constant 16 : i32
        %mul3A_476 = arith.muli %scan3A_194, %mul3A_475 : i32
        %add3A_477 = arith.constant 15 : i32
        %add3A_478 = arith.addi %mul3A_476, %add3A_477 : i32
        %get3A_479 = arith.index_cast %add3A_478 : i32 to index
        %get3A_480 = arith.constant 0 : index
        %get3A_481 = tpu.vector_load %arg26[%get3A_479, %get3A_480] {strides = array<i32>} : memref<2048x32xf32, #tpu.memory_space<vmem>>, vector<16xf32>,
        %mul3A_482 = arith.mulf %gather3A_474, %get3A_481 : vector<16xf32>
        %add3A_483 = arith.addf %add3A_466, %mul3A_482 : vector<16xf32>
        %get3A_484 = arith.index_cast %add3A_478 : i32 to index
        %get3A_485 = arith.constant 16 : index
        %get3A_486 = tpu.vector_load %arg26[%get3A_484, %get3A_485] {strides = array<i32>} : memref<2048x32xf32, #tpu.memory_space<vmem>>, vector<16xf32>,
        %mul3A_487 = arith.mulf %gather3A_474, %get3A_486 : vector<16xf32>
        %add3A_488 = arith.addf %add3A_471, %mul3A_487 : vector<16xf32>
        %swap3A_489 = arith.index_cast %scan3A_194 : i32 to index
        %swap3A_490 = arith.constant 0 : index
        %swap3A_491 = tpu.vector_load %arg27[%swap3A_489, %swap3A_490] {strides = array<i32>} : memref<128x32xf32, #tpu.memory_space<vmem>>, vector<16xf32>,
        tpu.vector_store %arg27[%swap3A_489, %swap3A_490], %add3A_483 {strides = array<i32>} : memref<128x32xf32, #tpu.memory_space<vmem>>, vector<16xf32>,
        %swap3A_492 = arith.index_cast %scan3A_194 : i32 to index
        %swap3A_493 = arith.constant 16 : index
        %swap3A_494 = tpu.vector_load %arg27[%swap3A_492, %swap3A_493] {strides = array<i32>} : memref<128x32xf32, #tpu.memory_space<vmem>>, vector<16xf32>,
        tpu.vector_store %arg27[%swap3A_492, %swap3A_493], %add3A_488 {strides = array<i32>} : memref<128x32xf32, #tpu.memory_space<vmem>>, vector<16xf32>,
      }
      %scan3A_193 = arith.constant 64 : i32
      "tpu.region"() ({
        %run_scoped3A = tpu.sem_alloc : memref<!tpu.dma_semaphore, #tpu.memory_space<semaphore_mem>>
        %dma_start3A_194 = arith.constant 0 : i32
        %dma_start3A_195 = tpu.memref_slice %arg13[%add3A_47, %dma_start3A_194] : memref<65536x32xf32, #tpu.memory_space<hbm>> -> memref<128x32xf32, #tpu.memory_space<hbm>>
        %dma_start3A_196 = arith.constant 0 : i32
        %dma_start3A_197 = tpu.memref_slice %arg13[%add3A_47, %dma_start3A_196] : memref<65536x32xf32, #tpu.memory_space<hbm>> -> memref<128x32xf32, #tpu.memory_space<hbm>>
        tpu.enqueue_dma source(%arg27 : memref<128x32xf32, #tpu.memory_space<vmem>>) target(%dma_start3A_197 : memref<128x32xf32, #tpu.memory_space<hbm>>) target_semaphore(%run_scoped3A : memref<!tpu.dma_semaphore, #tpu.memory_space<semaphore_mem>>)
        %dma_wait3A_198 = arith.constant 0 : i32
        %dma_wait3A_199 = tpu.memref_slice %arg13[%add3A_47, %dma_wait3A_198] : memref<65536x32xf32, #tpu.memory_space<hbm>> -> memref<128x32xf32, #tpu.memory_space<hbm>>
        %dma_wait3A_200 = arith.constant 0 : i32
        %dma_wait3A_201 = tpu.memref_slice %arg13[%add3A_47, %dma_wait3A_200] : memref<65536x32xf32, #tpu.memory_space<hbm>> -> memref<128x32xf32, #tpu.memory_space<hbm>>
        tpu.wait_dma2 semaphore(%run_scoped3A : memref<!tpu.dma_semaphore, #tpu.memory_space<semaphore_mem>>) src(%arg27 : memref<128x32xf32, #tpu.memory_space<vmem>>) dst(%dma_wait3A_201 : memref<128x32xf32, #tpu.memory_space<hbm>>)
        tpu.yield
      }) : () -> ()
    }
    %scan3A_41 = arith.constant 16 : i32
    return
  }
}

module attributes {stable_mosaic.version = 14 : i64} {
  func.func @_ur_body(%arg0: i32, %arg1: memref<4000x32xf32, #tpu.memory_space<vmem>>, %arg2: memref<32x32xf32, #tpu.memory_space<vmem>>, %arg3: memref<4000x32xf32, #tpu.memory_space<vmem>>) attributes {dimension_semantics = [#tpu.dimension_semantics<arbitrary>], iteration_bounds = array<i64: 25>, scalar_prefetch = 0 : i64, scratch_operands = 0 : i64, tpu.core_type = #tpu.core_type<tc>, window_params = [{transform_indices = @transform_0, window_bounds = array<i64: 4000, 32>}, {pipeline_mode = #tpu.pipeline_mode<synchronous>, transform_indices = @transform_1, window_bounds = array<i64: 32, 32>}, {transform_indices = @transform_2, window_bounds = array<i64: 4000, 32>}]} {
    %get3A = arith.constant 0 : index
    %get3A_0 = arith.constant 0 : index
    %get3A_1 = vector.load %arg1[%get3A, %get3A_0] : memref<4000x32xf32, #tpu.memory_space<vmem>>, vector<4000x32xf32>
    %get3A_2 = arith.constant 0 : index
    %get3A_3 = arith.constant 0 : index
    %get3A_4 = vector.load %arg2[%get3A_2, %get3A_3] : memref<32x32xf32, #tpu.memory_space<vmem>>, vector<32x32xf32>
    %dot_general3A = arith.constant dense<0.000000e+00> : vector<4000x32xf32>
    %dot_general3A_5 = tpu.matmul %get3A_1, %get3A_4, %dot_general3A {dimension_numbers = #tpu.dot_dimension_numbers<[1], [1], [0], [0], [0, 0, 1, 0], [], []>, transpose_lhs_hint = false} : vector<4000x32xf32>, vector<32x32xf32>, vector<4000x32xf32> -> vector<4000x32xf32>
    %swap3A = arith.constant 0 : index
    %swap3A_6 = arith.constant 0 : index
    %swap3A_7 = vector.load %arg3[%swap3A, %swap3A_6] : memref<4000x32xf32, #tpu.memory_space<vmem>>, vector<4000x32xf32>
    tpu.vector_store %arg3[%swap3A, %swap3A_6], %dot_general3A_5 {strides = array<i32>} : memref<4000x32xf32, #tpu.memory_space<vmem>>, vector<4000x32xf32>,
    return
  }
  func.func @transform_0(%arg0: i32) -> (i32, i32) {
    %c0_i32 = arith.constant 0 : i32
    %c0_i32_0 = arith.constant 0 : i32
    return %arg0, %c0_i32 : i32, i32
  }
  func.func @transform_1(%arg0: i32) -> (i32, i32) {
    %c0_i32 = arith.constant 0 : i32
    %c0_i32_0 = arith.constant 0 : i32
    %c0_i32_1 = arith.constant 0 : i32
    return %c0_i32, %c0_i32_0 : i32, i32
  }
  func.func @transform_2(%arg0: i32) -> (i32, i32) {
    %c0_i32 = arith.constant 0 : i32
    %c0_i32_0 = arith.constant 0 : i32
    return %arg0, %c0_i32 : i32, i32
  }
}

module attributes {stable_mosaic.version = 14 : i64} {
  func.func @_tc_body(%arg0: i32, %arg1: memref<512x32xf32, #tpu.memory_space<vmem>>, %arg2: memref<512x32xf32, #tpu.memory_space<vmem>>, %arg3: memref<512x16xi32, #tpu.memory_space<vmem>>, %arg4: memref<8192x32xf32, #tpu.memory_space<vmem>>, %arg5: memref<8192x32xf32, #tpu.memory_space<vmem>>, %arg6: memref<32x32xf32, #tpu.memory_space<vmem>>, %arg7: memref<32x32xf32, #tpu.memory_space<vmem>>, %arg8: memref<1x32xf32, #tpu.memory_space<vmem>>, %arg9: memref<1x1x512xf32, #tpu.memory_space<vmem>>) attributes {dimension_semantics = [#tpu.dimension_semantics<arbitrary>], iteration_bounds = array<i64: 8>, scalar_prefetch = 0 : i64, scratch_operands = 0 : i64, tpu.core_type = #tpu.core_type<tc>, window_params = [{transform_indices = @transform_0, window_bounds = array<i64: 512, 32>}, {transform_indices = @transform_1, window_bounds = array<i64: 512, 32>}, {transform_indices = @transform_2, window_bounds = array<i64: 512, 16>}, {transform_indices = @transform_3, window_bounds = array<i64: 8192, 32>}, {transform_indices = @transform_4, window_bounds = array<i64: 8192, 32>}, {pipeline_mode = #tpu.pipeline_mode<synchronous>, transform_indices = @transform_5, window_bounds = array<i64: 32, 32>}, {pipeline_mode = #tpu.pipeline_mode<synchronous>, transform_indices = @transform_6, window_bounds = array<i64: 32, 32>}, {pipeline_mode = #tpu.pipeline_mode<synchronous>, transform_indices = @transform_7, window_bounds = array<i64: 1, 32>}, {transform_indices = @transform_8, window_bounds = array<i64: 1, 1, 512>}]} {
    %get3A = arith.constant 0 : index
    %get3A_0 = arith.constant 0 : index
    %get3A_1 = vector.load %arg1[%get3A, %get3A_0] : memref<512x32xf32, #tpu.memory_space<vmem>>, vector<512x32xf32>
    %get3A_2 = arith.constant 0 : index
    %get3A_3 = arith.constant 0 : index
    %get3A_4 = vector.load %arg6[%get3A_2, %get3A_3] : memref<32x32xf32, #tpu.memory_space<vmem>>, vector<32x32xf32>
    %get3A_5 = arith.constant 0 : index
    %get3A_6 = arith.constant 0 : index
    %get3A_7 = vector.load %arg7[%get3A_5, %get3A_6] : memref<32x32xf32, #tpu.memory_space<vmem>>, vector<32x32xf32>
    %get3A_8 = arith.constant 0 : index
    %get3A_9 = arith.constant 0 : index
    %get3A_10 = vector.load %arg8[%get3A_8, %get3A_9] : memref<1x32xf32, #tpu.memory_space<vmem>>, vector<1x32xf32>
    %dot_general3A = arith.constant dense<0.000000e+00> : vector<512x32xf32>
    %dot_general3A_11 = tpu.matmul %get3A_1, %get3A_4, %dot_general3A {dimension_numbers = #tpu.dot_dimension_numbers<[1], [1], [0], [0], [0, 0, 1, 0], [], []>, transpose_lhs_hint = false} : vector<512x32xf32>, vector<32x32xf32>, vector<512x32xf32> -> vector<512x32xf32>
    %get3A_12 = arith.constant 0 : index
    %get3A_13 = arith.constant 0 : index
    %get3A_14 = vector.load %arg3[%get3A_12, %get3A_13] : memref<512x16xi32, #tpu.memory_space<vmem>>, vector<512x16xi32>
    %broadcast_in_dim3A = arith.constant 0.000000e+00 : f32
    %broadcast_in_dim3A_15 = vector.broadcast %broadcast_in_dim3A : f32 to vector<512x16xf32>
    %eq3A = arith.constant 0 : i32
    %eq3A_16 = vector.broadcast %eq3A : i32 to vector<512x16xi32>
    %eq3A_17 = arith.cmpi eq, %get3A_14, %eq3A_16 : vector<512x16xi32>
    %slice3A = vector.extract_strided_slice %dot_general3A_11 {offsets = [0, 0], sizes = [512, 1], strides = [1, 1]} : vector<512x32xf32> to vector<512x1xf32>
    %jit3A = arith.constant 0.000000e+00 : f32
    %broadcast_in_dim3A_18 = vector.shape_cast %slice3A : vector<512x1xf32> to vector<512x1xf32>
    %broadcast_in_dim3A_19 = vector.broadcast %broadcast_in_dim3A_18 : vector<512x1xf32> to vector<512x16xf32>
    %broadcast_in_dim3A_20 = vector.broadcast %jit3A : f32 to vector<512x16xf32>
    %select_n3A = arith.select %eq3A_17, %broadcast_in_dim3A_19, %broadcast_in_dim3A_20 : vector<512x16xi1>, vector<512x16xf32>
    %add3A = arith.addf %broadcast_in_dim3A_15, %select_n3A : vector<512x16xf32>
    %eq3A_21 = arith.constant 1 : i32
    %eq3A_22 = vector.broadcast %eq3A_21 : i32 to vector<512x16xi32>
    %eq3A_23 = arith.cmpi eq, %get3A_14, %eq3A_22 : vector<512x16xi32>
    %slice3A_24 = vector.extract_strided_slice %dot_general3A_11 {offsets = [0, 1], sizes = [512, 1], strides = [1, 1]} : vector<512x32xf32> to vector<512x1xf32>
    %jit3A_25 = arith.constant 0.000000e+00 : f32
    %broadcast_in_dim3A_26 = vector.shape_cast %slice3A_24 : vector<512x1xf32> to vector<512x1xf32>
    %broadcast_in_dim3A_27 = vector.broadcast %broadcast_in_dim3A_26 : vector<512x1xf32> to vector<512x16xf32>
    %broadcast_in_dim3A_28 = vector.broadcast %jit3A_25 : f32 to vector<512x16xf32>
    %select_n3A_29 = arith.select %eq3A_23, %broadcast_in_dim3A_27, %broadcast_in_dim3A_28 : vector<512x16xi1>, vector<512x16xf32>
    %add3A_30 = arith.addf %add3A, %select_n3A_29 : vector<512x16xf32>
    %eq3A_31 = arith.constant 2 : i32
    %eq3A_32 = vector.broadcast %eq3A_31 : i32 to vector<512x16xi32>
    %eq3A_33 = arith.cmpi eq, %get3A_14, %eq3A_32 : vector<512x16xi32>
    %slice3A_34 = vector.extract_strided_slice %dot_general3A_11 {offsets = [0, 2], sizes = [512, 1], strides = [1, 1]} : vector<512x32xf32> to vector<512x1xf32>
    %jit3A_35 = arith.constant 0.000000e+00 : f32
    %broadcast_in_dim3A_36 = vector.shape_cast %slice3A_34 : vector<512x1xf32> to vector<512x1xf32>
    %broadcast_in_dim3A_37 = vector.broadcast %broadcast_in_dim3A_36 : vector<512x1xf32> to vector<512x16xf32>
    %broadcast_in_dim3A_38 = vector.broadcast %jit3A_35 : f32 to vector<512x16xf32>
    %select_n3A_39 = arith.select %eq3A_33, %broadcast_in_dim3A_37, %broadcast_in_dim3A_38 : vector<512x16xi1>, vector<512x16xf32>
    %add3A_40 = arith.addf %add3A_30, %select_n3A_39 : vector<512x16xf32>
    %eq3A_41 = arith.constant 3 : i32
    %eq3A_42 = vector.broadcast %eq3A_41 : i32 to vector<512x16xi32>
    %eq3A_43 = arith.cmpi eq, %get3A_14, %eq3A_42 : vector<512x16xi32>
    %slice3A_44 = vector.extract_strided_slice %dot_general3A_11 {offsets = [0, 3], sizes = [512, 1], strides = [1, 1]} : vector<512x32xf32> to vector<512x1xf32>
    %jit3A_45 = arith.constant 0.000000e+00 : f32
    %broadcast_in_dim3A_46 = vector.shape_cast %slice3A_44 : vector<512x1xf32> to vector<512x1xf32>
    %broadcast_in_dim3A_47 = vector.broadcast %broadcast_in_dim3A_46 : vector<512x1xf32> to vector<512x16xf32>
    %broadcast_in_dim3A_48 = vector.broadcast %jit3A_45 : f32 to vector<512x16xf32>
    %select_n3A_49 = arith.select %eq3A_43, %broadcast_in_dim3A_47, %broadcast_in_dim3A_48 : vector<512x16xi1>, vector<512x16xf32>
    %add3A_50 = arith.addf %add3A_40, %select_n3A_49 : vector<512x16xf32>
    %eq3A_51 = arith.constant 4 : i32
    %eq3A_52 = vector.broadcast %eq3A_51 : i32 to vector<512x16xi32>
    %eq3A_53 = arith.cmpi eq, %get3A_14, %eq3A_52 : vector<512x16xi32>
    %slice3A_54 = vector.extract_strided_slice %dot_general3A_11 {offsets = [0, 4], sizes = [512, 1], strides = [1, 1]} : vector<512x32xf32> to vector<512x1xf32>
    %jit3A_55 = arith.constant 0.000000e+00 : f32
    %broadcast_in_dim3A_56 = vector.shape_cast %slice3A_54 : vector<512x1xf32> to vector<512x1xf32>
    %broadcast_in_dim3A_57 = vector.broadcast %broadcast_in_dim3A_56 : vector<512x1xf32> to vector<512x16xf32>
    %broadcast_in_dim3A_58 = vector.broadcast %jit3A_55 : f32 to vector<512x16xf32>
    %select_n3A_59 = arith.select %eq3A_53, %broadcast_in_dim3A_57, %broadcast_in_dim3A_58 : vector<512x16xi1>, vector<512x16xf32>
    %add3A_60 = arith.addf %add3A_50, %select_n3A_59 : vector<512x16xf32>
    %eq3A_61 = arith.constant 5 : i32
    %eq3A_62 = vector.broadcast %eq3A_61 : i32 to vector<512x16xi32>
    %eq3A_63 = arith.cmpi eq, %get3A_14, %eq3A_62 : vector<512x16xi32>
    %slice3A_64 = vector.extract_strided_slice %dot_general3A_11 {offsets = [0, 5], sizes = [512, 1], strides = [1, 1]} : vector<512x32xf32> to vector<512x1xf32>
    %jit3A_65 = arith.constant 0.000000e+00 : f32
    %broadcast_in_dim3A_66 = vector.shape_cast %slice3A_64 : vector<512x1xf32> to vector<512x1xf32>
    %broadcast_in_dim3A_67 = vector.broadcast %broadcast_in_dim3A_66 : vector<512x1xf32> to vector<512x16xf32>
    %broadcast_in_dim3A_68 = vector.broadcast %jit3A_65 : f32 to vector<512x16xf32>
    %select_n3A_69 = arith.select %eq3A_63, %broadcast_in_dim3A_67, %broadcast_in_dim3A_68 : vector<512x16xi1>, vector<512x16xf32>
    %add3A_70 = arith.addf %add3A_60, %select_n3A_69 : vector<512x16xf32>
    %eq3A_71 = arith.constant 6 : i32
    %eq3A_72 = vector.broadcast %eq3A_71 : i32 to vector<512x16xi32>
    %eq3A_73 = arith.cmpi eq, %get3A_14, %eq3A_72 : vector<512x16xi32>
    %slice3A_74 = vector.extract_strided_slice %dot_general3A_11 {offsets = [0, 6], sizes = [512, 1], strides = [1, 1]} : vector<512x32xf32> to vector<512x1xf32>
    %jit3A_75 = arith.constant 0.000000e+00 : f32
    %broadcast_in_dim3A_76 = vector.shape_cast %slice3A_74 : vector<512x1xf32> to vector<512x1xf32>
    %broadcast_in_dim3A_77 = vector.broadcast %broadcast_in_dim3A_76 : vector<512x1xf32> to vector<512x16xf32>
    %broadcast_in_dim3A_78 = vector.broadcast %jit3A_75 : f32 to vector<512x16xf32>
    %select_n3A_79 = arith.select %eq3A_73, %broadcast_in_dim3A_77, %broadcast_in_dim3A_78 : vector<512x16xi1>, vector<512x16xf32>
    %add3A_80 = arith.addf %add3A_70, %select_n3A_79 : vector<512x16xf32>
    %eq3A_81 = arith.constant 7 : i32
    %eq3A_82 = vector.broadcast %eq3A_81 : i32 to vector<512x16xi32>
    %eq3A_83 = arith.cmpi eq, %get3A_14, %eq3A_82 : vector<512x16xi32>
    %slice3A_84 = vector.extract_strided_slice %dot_general3A_11 {offsets = [0, 7], sizes = [512, 1], strides = [1, 1]} : vector<512x32xf32> to vector<512x1xf32>
    %jit3A_85 = arith.constant 0.000000e+00 : f32
    %broadcast_in_dim3A_86 = vector.shape_cast %slice3A_84 : vector<512x1xf32> to vector<512x1xf32>
    %broadcast_in_dim3A_87 = vector.broadcast %broadcast_in_dim3A_86 : vector<512x1xf32> to vector<512x16xf32>
    %broadcast_in_dim3A_88 = vector.broadcast %jit3A_85 : f32 to vector<512x16xf32>
    %select_n3A_89 = arith.select %eq3A_83, %broadcast_in_dim3A_87, %broadcast_in_dim3A_88 : vector<512x16xi1>, vector<512x16xf32>
    %add3A_90 = arith.addf %add3A_80, %select_n3A_89 : vector<512x16xf32>
    %eq3A_91 = arith.constant 8 : i32
    %eq3A_92 = vector.broadcast %eq3A_91 : i32 to vector<512x16xi32>
    %eq3A_93 = arith.cmpi eq, %get3A_14, %eq3A_92 : vector<512x16xi32>
    %slice3A_94 = vector.extract_strided_slice %dot_general3A_11 {offsets = [0, 8], sizes = [512, 1], strides = [1, 1]} : vector<512x32xf32> to vector<512x1xf32>
    %jit3A_95 = arith.constant 0.000000e+00 : f32
    %broadcast_in_dim3A_96 = vector.shape_cast %slice3A_94 : vector<512x1xf32> to vector<512x1xf32>
    %broadcast_in_dim3A_97 = vector.broadcast %broadcast_in_dim3A_96 : vector<512x1xf32> to vector<512x16xf32>
    %broadcast_in_dim3A_98 = vector.broadcast %jit3A_95 : f32 to vector<512x16xf32>
    %select_n3A_99 = arith.select %eq3A_93, %broadcast_in_dim3A_97, %broadcast_in_dim3A_98 : vector<512x16xi1>, vector<512x16xf32>
    %add3A_100 = arith.addf %add3A_90, %select_n3A_99 : vector<512x16xf32>
    %eq3A_101 = arith.constant 9 : i32
    %eq3A_102 = vector.broadcast %eq3A_101 : i32 to vector<512x16xi32>
    %eq3A_103 = arith.cmpi eq, %get3A_14, %eq3A_102 : vector<512x16xi32>
    %slice3A_104 = vector.extract_strided_slice %dot_general3A_11 {offsets = [0, 9], sizes = [512, 1], strides = [1, 1]} : vector<512x32xf32> to vector<512x1xf32>
    %jit3A_105 = arith.constant 0.000000e+00 : f32
    %broadcast_in_dim3A_106 = vector.shape_cast %slice3A_104 : vector<512x1xf32> to vector<512x1xf32>
    %broadcast_in_dim3A_107 = vector.broadcast %broadcast_in_dim3A_106 : vector<512x1xf32> to vector<512x16xf32>
    %broadcast_in_dim3A_108 = vector.broadcast %jit3A_105 : f32 to vector<512x16xf32>
    %select_n3A_109 = arith.select %eq3A_103, %broadcast_in_dim3A_107, %broadcast_in_dim3A_108 : vector<512x16xi1>, vector<512x16xf32>
    %add3A_110 = arith.addf %add3A_100, %select_n3A_109 : vector<512x16xf32>
    %eq3A_111 = arith.constant 10 : i32
    %eq3A_112 = vector.broadcast %eq3A_111 : i32 to vector<512x16xi32>
    %eq3A_113 = arith.cmpi eq, %get3A_14, %eq3A_112 : vector<512x16xi32>
    %slice3A_114 = vector.extract_strided_slice %dot_general3A_11 {offsets = [0, 10], sizes = [512, 1], strides = [1, 1]} : vector<512x32xf32> to vector<512x1xf32>
    %jit3A_115 = arith.constant 0.000000e+00 : f32
    %broadcast_in_dim3A_116 = vector.shape_cast %slice3A_114 : vector<512x1xf32> to vector<512x1xf32>
    %broadcast_in_dim3A_117 = vector.broadcast %broadcast_in_dim3A_116 : vector<512x1xf32> to vector<512x16xf32>
    %broadcast_in_dim3A_118 = vector.broadcast %jit3A_115 : f32 to vector<512x16xf32>
    %select_n3A_119 = arith.select %eq3A_113, %broadcast_in_dim3A_117, %broadcast_in_dim3A_118 : vector<512x16xi1>, vector<512x16xf32>
    %add3A_120 = arith.addf %add3A_110, %select_n3A_119 : vector<512x16xf32>
    %eq3A_121 = arith.constant 11 : i32
    %eq3A_122 = vector.broadcast %eq3A_121 : i32 to vector<512x16xi32>
    %eq3A_123 = arith.cmpi eq, %get3A_14, %eq3A_122 : vector<512x16xi32>
    %slice3A_124 = vector.extract_strided_slice %dot_general3A_11 {offsets = [0, 11], sizes = [512, 1], strides = [1, 1]} : vector<512x32xf32> to vector<512x1xf32>
    %jit3A_125 = arith.constant 0.000000e+00 : f32
    %broadcast_in_dim3A_126 = vector.shape_cast %slice3A_124 : vector<512x1xf32> to vector<512x1xf32>
    %broadcast_in_dim3A_127 = vector.broadcast %broadcast_in_dim3A_126 : vector<512x1xf32> to vector<512x16xf32>
    %broadcast_in_dim3A_128 = vector.broadcast %jit3A_125 : f32 to vector<512x16xf32>
    %select_n3A_129 = arith.select %eq3A_123, %broadcast_in_dim3A_127, %broadcast_in_dim3A_128 : vector<512x16xi1>, vector<512x16xf32>
    %add3A_130 = arith.addf %add3A_120, %select_n3A_129 : vector<512x16xf32>
    %eq3A_131 = arith.constant 12 : i32
    %eq3A_132 = vector.broadcast %eq3A_131 : i32 to vector<512x16xi32>
    %eq3A_133 = arith.cmpi eq, %get3A_14, %eq3A_132 : vector<512x16xi32>
    %slice3A_134 = vector.extract_strided_slice %dot_general3A_11 {offsets = [0, 12], sizes = [512, 1], strides = [1, 1]} : vector<512x32xf32> to vector<512x1xf32>
    %jit3A_135 = arith.constant 0.000000e+00 : f32
    %broadcast_in_dim3A_136 = vector.shape_cast %slice3A_134 : vector<512x1xf32> to vector<512x1xf32>
    %broadcast_in_dim3A_137 = vector.broadcast %broadcast_in_dim3A_136 : vector<512x1xf32> to vector<512x16xf32>
    %broadcast_in_dim3A_138 = vector.broadcast %jit3A_135 : f32 to vector<512x16xf32>
    %select_n3A_139 = arith.select %eq3A_133, %broadcast_in_dim3A_137, %broadcast_in_dim3A_138 : vector<512x16xi1>, vector<512x16xf32>
    %add3A_140 = arith.addf %add3A_130, %select_n3A_139 : vector<512x16xf32>
    %eq3A_141 = arith.constant 13 : i32
    %eq3A_142 = vector.broadcast %eq3A_141 : i32 to vector<512x16xi32>
    %eq3A_143 = arith.cmpi eq, %get3A_14, %eq3A_142 : vector<512x16xi32>
    %slice3A_144 = vector.extract_strided_slice %dot_general3A_11 {offsets = [0, 13], sizes = [512, 1], strides = [1, 1]} : vector<512x32xf32> to vector<512x1xf32>
    %jit3A_145 = arith.constant 0.000000e+00 : f32
    %broadcast_in_dim3A_146 = vector.shape_cast %slice3A_144 : vector<512x1xf32> to vector<512x1xf32>
    %broadcast_in_dim3A_147 = vector.broadcast %broadcast_in_dim3A_146 : vector<512x1xf32> to vector<512x16xf32>
    %broadcast_in_dim3A_148 = vector.broadcast %jit3A_145 : f32 to vector<512x16xf32>
    %select_n3A_149 = arith.select %eq3A_143, %broadcast_in_dim3A_147, %broadcast_in_dim3A_148 : vector<512x16xi1>, vector<512x16xf32>
    %add3A_150 = arith.addf %add3A_140, %select_n3A_149 : vector<512x16xf32>
    %eq3A_151 = arith.constant 14 : i32
    %eq3A_152 = vector.broadcast %eq3A_151 : i32 to vector<512x16xi32>
    %eq3A_153 = arith.cmpi eq, %get3A_14, %eq3A_152 : vector<512x16xi32>
    %slice3A_154 = vector.extract_strided_slice %dot_general3A_11 {offsets = [0, 14], sizes = [512, 1], strides = [1, 1]} : vector<512x32xf32> to vector<512x1xf32>
    %jit3A_155 = arith.constant 0.000000e+00 : f32
    %broadcast_in_dim3A_156 = vector.shape_cast %slice3A_154 : vector<512x1xf32> to vector<512x1xf32>
    %broadcast_in_dim3A_157 = vector.broadcast %broadcast_in_dim3A_156 : vector<512x1xf32> to vector<512x16xf32>
    %broadcast_in_dim3A_158 = vector.broadcast %jit3A_155 : f32 to vector<512x16xf32>
    %select_n3A_159 = arith.select %eq3A_153, %broadcast_in_dim3A_157, %broadcast_in_dim3A_158 : vector<512x16xi1>, vector<512x16xf32>
    %add3A_160 = arith.addf %add3A_150, %select_n3A_159 : vector<512x16xf32>
    %eq3A_161 = arith.constant 15 : i32
    %eq3A_162 = vector.broadcast %eq3A_161 : i32 to vector<512x16xi32>
    %eq3A_163 = arith.cmpi eq, %get3A_14, %eq3A_162 : vector<512x16xi32>
    %slice3A_164 = vector.extract_strided_slice %dot_general3A_11 {offsets = [0, 15], sizes = [512, 1], strides = [1, 1]} : vector<512x32xf32> to vector<512x1xf32>
    %jit3A_165 = arith.constant 0.000000e+00 : f32
    %broadcast_in_dim3A_166 = vector.shape_cast %slice3A_164 : vector<512x1xf32> to vector<512x1xf32>
    %broadcast_in_dim3A_167 = vector.broadcast %broadcast_in_dim3A_166 : vector<512x1xf32> to vector<512x16xf32>
    %broadcast_in_dim3A_168 = vector.broadcast %jit3A_165 : f32 to vector<512x16xf32>
    %select_n3A_169 = arith.select %eq3A_163, %broadcast_in_dim3A_167, %broadcast_in_dim3A_168 : vector<512x16xi1>, vector<512x16xf32>
    %add3A_170 = arith.addf %add3A_160, %select_n3A_169 : vector<512x16xf32>
    %eq3A_171 = arith.constant 16 : i32
    %eq3A_172 = vector.broadcast %eq3A_171 : i32 to vector<512x16xi32>
    %eq3A_173 = arith.cmpi eq, %get3A_14, %eq3A_172 : vector<512x16xi32>
    %slice3A_174 = vector.extract_strided_slice %dot_general3A_11 {offsets = [0, 16], sizes = [512, 1], strides = [1, 1]} : vector<512x32xf32> to vector<512x1xf32>
    %jit3A_175 = arith.constant 0.000000e+00 : f32
    %broadcast_in_dim3A_176 = vector.shape_cast %slice3A_174 : vector<512x1xf32> to vector<512x1xf32>
    %broadcast_in_dim3A_177 = vector.broadcast %broadcast_in_dim3A_176 : vector<512x1xf32> to vector<512x16xf32>
    %broadcast_in_dim3A_178 = vector.broadcast %jit3A_175 : f32 to vector<512x16xf32>
    %select_n3A_179 = arith.select %eq3A_173, %broadcast_in_dim3A_177, %broadcast_in_dim3A_178 : vector<512x16xi1>, vector<512x16xf32>
    %add3A_180 = arith.addf %add3A_170, %select_n3A_179 : vector<512x16xf32>
    %eq3A_181 = arith.constant 17 : i32
    %eq3A_182 = vector.broadcast %eq3A_181 : i32 to vector<512x16xi32>
    %eq3A_183 = arith.cmpi eq, %get3A_14, %eq3A_182 : vector<512x16xi32>
    %slice3A_184 = vector.extract_strided_slice %dot_general3A_11 {offsets = [0, 17], sizes = [512, 1], strides = [1, 1]} : vector<512x32xf32> to vector<512x1xf32>
    %jit3A_185 = arith.constant 0.000000e+00 : f32
    %broadcast_in_dim3A_186 = vector.shape_cast %slice3A_184 : vector<512x1xf32> to vector<512x1xf32>
    %broadcast_in_dim3A_187 = vector.broadcast %broadcast_in_dim3A_186 : vector<512x1xf32> to vector<512x16xf32>
    %broadcast_in_dim3A_188 = vector.broadcast %jit3A_185 : f32 to vector<512x16xf32>
    %select_n3A_189 = arith.select %eq3A_183, %broadcast_in_dim3A_187, %broadcast_in_dim3A_188 : vector<512x16xi1>, vector<512x16xf32>
    %add3A_190 = arith.addf %add3A_180, %select_n3A_189 : vector<512x16xf32>
    %eq3A_191 = arith.constant 18 : i32
    %eq3A_192 = vector.broadcast %eq3A_191 : i32 to vector<512x16xi32>
    %eq3A_193 = arith.cmpi eq, %get3A_14, %eq3A_192 : vector<512x16xi32>
    %slice3A_194 = vector.extract_strided_slice %dot_general3A_11 {offsets = [0, 18], sizes = [512, 1], strides = [1, 1]} : vector<512x32xf32> to vector<512x1xf32>
    %jit3A_195 = arith.constant 0.000000e+00 : f32
    %broadcast_in_dim3A_196 = vector.shape_cast %slice3A_194 : vector<512x1xf32> to vector<512x1xf32>
    %broadcast_in_dim3A_197 = vector.broadcast %broadcast_in_dim3A_196 : vector<512x1xf32> to vector<512x16xf32>
    %broadcast_in_dim3A_198 = vector.broadcast %jit3A_195 : f32 to vector<512x16xf32>
    %select_n3A_199 = arith.select %eq3A_193, %broadcast_in_dim3A_197, %broadcast_in_dim3A_198 : vector<512x16xi1>, vector<512x16xf32>
    %add3A_200 = arith.addf %add3A_190, %select_n3A_199 : vector<512x16xf32>
    %eq3A_201 = arith.constant 19 : i32
    %eq3A_202 = vector.broadcast %eq3A_201 : i32 to vector<512x16xi32>
    %eq3A_203 = arith.cmpi eq, %get3A_14, %eq3A_202 : vector<512x16xi32>
    %slice3A_204 = vector.extract_strided_slice %dot_general3A_11 {offsets = [0, 19], sizes = [512, 1], strides = [1, 1]} : vector<512x32xf32> to vector<512x1xf32>
    %jit3A_205 = arith.constant 0.000000e+00 : f32
    %broadcast_in_dim3A_206 = vector.shape_cast %slice3A_204 : vector<512x1xf32> to vector<512x1xf32>
    %broadcast_in_dim3A_207 = vector.broadcast %broadcast_in_dim3A_206 : vector<512x1xf32> to vector<512x16xf32>
    %broadcast_in_dim3A_208 = vector.broadcast %jit3A_205 : f32 to vector<512x16xf32>
    %select_n3A_209 = arith.select %eq3A_203, %broadcast_in_dim3A_207, %broadcast_in_dim3A_208 : vector<512x16xi1>, vector<512x16xf32>
    %add3A_210 = arith.addf %add3A_200, %select_n3A_209 : vector<512x16xf32>
    %eq3A_211 = arith.constant 20 : i32
    %eq3A_212 = vector.broadcast %eq3A_211 : i32 to vector<512x16xi32>
    %eq3A_213 = arith.cmpi eq, %get3A_14, %eq3A_212 : vector<512x16xi32>
    %slice3A_214 = vector.extract_strided_slice %dot_general3A_11 {offsets = [0, 20], sizes = [512, 1], strides = [1, 1]} : vector<512x32xf32> to vector<512x1xf32>
    %jit3A_215 = arith.constant 0.000000e+00 : f32
    %broadcast_in_dim3A_216 = vector.shape_cast %slice3A_214 : vector<512x1xf32> to vector<512x1xf32>
    %broadcast_in_dim3A_217 = vector.broadcast %broadcast_in_dim3A_216 : vector<512x1xf32> to vector<512x16xf32>
    %broadcast_in_dim3A_218 = vector.broadcast %jit3A_215 : f32 to vector<512x16xf32>
    %select_n3A_219 = arith.select %eq3A_213, %broadcast_in_dim3A_217, %broadcast_in_dim3A_218 : vector<512x16xi1>, vector<512x16xf32>
    %add3A_220 = arith.addf %add3A_210, %select_n3A_219 : vector<512x16xf32>
    %eq3A_221 = arith.constant 21 : i32
    %eq3A_222 = vector.broadcast %eq3A_221 : i32 to vector<512x16xi32>
    %eq3A_223 = arith.cmpi eq, %get3A_14, %eq3A_222 : vector<512x16xi32>
    %slice3A_224 = vector.extract_strided_slice %dot_general3A_11 {offsets = [0, 21], sizes = [512, 1], strides = [1, 1]} : vector<512x32xf32> to vector<512x1xf32>
    %jit3A_225 = arith.constant 0.000000e+00 : f32
    %broadcast_in_dim3A_226 = vector.shape_cast %slice3A_224 : vector<512x1xf32> to vector<512x1xf32>
    %broadcast_in_dim3A_227 = vector.broadcast %broadcast_in_dim3A_226 : vector<512x1xf32> to vector<512x16xf32>
    %broadcast_in_dim3A_228 = vector.broadcast %jit3A_225 : f32 to vector<512x16xf32>
    %select_n3A_229 = arith.select %eq3A_223, %broadcast_in_dim3A_227, %broadcast_in_dim3A_228 : vector<512x16xi1>, vector<512x16xf32>
    %add3A_230 = arith.addf %add3A_220, %select_n3A_229 : vector<512x16xf32>
    %eq3A_231 = arith.constant 22 : i32
    %eq3A_232 = vector.broadcast %eq3A_231 : i32 to vector<512x16xi32>
    %eq3A_233 = arith.cmpi eq, %get3A_14, %eq3A_232 : vector<512x16xi32>
    %slice3A_234 = vector.extract_strided_slice %dot_general3A_11 {offsets = [0, 22], sizes = [512, 1], strides = [1, 1]} : vector<512x32xf32> to vector<512x1xf32>
    %jit3A_235 = arith.constant 0.000000e+00 : f32
    %broadcast_in_dim3A_236 = vector.shape_cast %slice3A_234 : vector<512x1xf32> to vector<512x1xf32>
    %broadcast_in_dim3A_237 = vector.broadcast %broadcast_in_dim3A_236 : vector<512x1xf32> to vector<512x16xf32>
    %broadcast_in_dim3A_238 = vector.broadcast %jit3A_235 : f32 to vector<512x16xf32>
    %select_n3A_239 = arith.select %eq3A_233, %broadcast_in_dim3A_237, %broadcast_in_dim3A_238 : vector<512x16xi1>, vector<512x16xf32>
    %add3A_240 = arith.addf %add3A_230, %select_n3A_239 : vector<512x16xf32>
    %eq3A_241 = arith.constant 23 : i32
    %eq3A_242 = vector.broadcast %eq3A_241 : i32 to vector<512x16xi32>
    %eq3A_243 = arith.cmpi eq, %get3A_14, %eq3A_242 : vector<512x16xi32>
    %slice3A_244 = vector.extract_strided_slice %dot_general3A_11 {offsets = [0, 23], sizes = [512, 1], strides = [1, 1]} : vector<512x32xf32> to vector<512x1xf32>
    %jit3A_245 = arith.constant 0.000000e+00 : f32
    %broadcast_in_dim3A_246 = vector.shape_cast %slice3A_244 : vector<512x1xf32> to vector<512x1xf32>
    %broadcast_in_dim3A_247 = vector.broadcast %broadcast_in_dim3A_246 : vector<512x1xf32> to vector<512x16xf32>
    %broadcast_in_dim3A_248 = vector.broadcast %jit3A_245 : f32 to vector<512x16xf32>
    %select_n3A_249 = arith.select %eq3A_243, %broadcast_in_dim3A_247, %broadcast_in_dim3A_248 : vector<512x16xi1>, vector<512x16xf32>
    %add3A_250 = arith.addf %add3A_240, %select_n3A_249 : vector<512x16xf32>
    %eq3A_251 = arith.constant 24 : i32
    %eq3A_252 = vector.broadcast %eq3A_251 : i32 to vector<512x16xi32>
    %eq3A_253 = arith.cmpi eq, %get3A_14, %eq3A_252 : vector<512x16xi32>
    %slice3A_254 = vector.extract_strided_slice %dot_general3A_11 {offsets = [0, 24], sizes = [512, 1], strides = [1, 1]} : vector<512x32xf32> to vector<512x1xf32>
    %jit3A_255 = arith.constant 0.000000e+00 : f32
    %broadcast_in_dim3A_256 = vector.shape_cast %slice3A_254 : vector<512x1xf32> to vector<512x1xf32>
    %broadcast_in_dim3A_257 = vector.broadcast %broadcast_in_dim3A_256 : vector<512x1xf32> to vector<512x16xf32>
    %broadcast_in_dim3A_258 = vector.broadcast %jit3A_255 : f32 to vector<512x16xf32>
    %select_n3A_259 = arith.select %eq3A_253, %broadcast_in_dim3A_257, %broadcast_in_dim3A_258 : vector<512x16xi1>, vector<512x16xf32>
    %add3A_260 = arith.addf %add3A_250, %select_n3A_259 : vector<512x16xf32>
    %eq3A_261 = arith.constant 25 : i32
    %eq3A_262 = vector.broadcast %eq3A_261 : i32 to vector<512x16xi32>
    %eq3A_263 = arith.cmpi eq, %get3A_14, %eq3A_262 : vector<512x16xi32>
    %slice3A_264 = vector.extract_strided_slice %dot_general3A_11 {offsets = [0, 25], sizes = [512, 1], strides = [1, 1]} : vector<512x32xf32> to vector<512x1xf32>
    %jit3A_265 = arith.constant 0.000000e+00 : f32
    %broadcast_in_dim3A_266 = vector.shape_cast %slice3A_264 : vector<512x1xf32> to vector<512x1xf32>
    %broadcast_in_dim3A_267 = vector.broadcast %broadcast_in_dim3A_266 : vector<512x1xf32> to vector<512x16xf32>
    %broadcast_in_dim3A_268 = vector.broadcast %jit3A_265 : f32 to vector<512x16xf32>
    %select_n3A_269 = arith.select %eq3A_263, %broadcast_in_dim3A_267, %broadcast_in_dim3A_268 : vector<512x16xi1>, vector<512x16xf32>
    %add3A_270 = arith.addf %add3A_260, %select_n3A_269 : vector<512x16xf32>
    %eq3A_271 = arith.constant 26 : i32
    %eq3A_272 = vector.broadcast %eq3A_271 : i32 to vector<512x16xi32>
    %eq3A_273 = arith.cmpi eq, %get3A_14, %eq3A_272 : vector<512x16xi32>
    %slice3A_274 = vector.extract_strided_slice %dot_general3A_11 {offsets = [0, 26], sizes = [512, 1], strides = [1, 1]} : vector<512x32xf32> to vector<512x1xf32>
    %jit3A_275 = arith.constant 0.000000e+00 : f32
    %broadcast_in_dim3A_276 = vector.shape_cast %slice3A_274 : vector<512x1xf32> to vector<512x1xf32>
    %broadcast_in_dim3A_277 = vector.broadcast %broadcast_in_dim3A_276 : vector<512x1xf32> to vector<512x16xf32>
    %broadcast_in_dim3A_278 = vector.broadcast %jit3A_275 : f32 to vector<512x16xf32>
    %select_n3A_279 = arith.select %eq3A_273, %broadcast_in_dim3A_277, %broadcast_in_dim3A_278 : vector<512x16xi1>, vector<512x16xf32>
    %add3A_280 = arith.addf %add3A_270, %select_n3A_279 : vector<512x16xf32>
    %eq3A_281 = arith.constant 27 : i32
    %eq3A_282 = vector.broadcast %eq3A_281 : i32 to vector<512x16xi32>
    %eq3A_283 = arith.cmpi eq, %get3A_14, %eq3A_282 : vector<512x16xi32>
    %slice3A_284 = vector.extract_strided_slice %dot_general3A_11 {offsets = [0, 27], sizes = [512, 1], strides = [1, 1]} : vector<512x32xf32> to vector<512x1xf32>
    %jit3A_285 = arith.constant 0.000000e+00 : f32
    %broadcast_in_dim3A_286 = vector.shape_cast %slice3A_284 : vector<512x1xf32> to vector<512x1xf32>
    %broadcast_in_dim3A_287 = vector.broadcast %broadcast_in_dim3A_286 : vector<512x1xf32> to vector<512x16xf32>
    %broadcast_in_dim3A_288 = vector.broadcast %jit3A_285 : f32 to vector<512x16xf32>
    %select_n3A_289 = arith.select %eq3A_283, %broadcast_in_dim3A_287, %broadcast_in_dim3A_288 : vector<512x16xi1>, vector<512x16xf32>
    %add3A_290 = arith.addf %add3A_280, %select_n3A_289 : vector<512x16xf32>
    %eq3A_291 = arith.constant 28 : i32
    %eq3A_292 = vector.broadcast %eq3A_291 : i32 to vector<512x16xi32>
    %eq3A_293 = arith.cmpi eq, %get3A_14, %eq3A_292 : vector<512x16xi32>
    %slice3A_294 = vector.extract_strided_slice %dot_general3A_11 {offsets = [0, 28], sizes = [512, 1], strides = [1, 1]} : vector<512x32xf32> to vector<512x1xf32>
    %jit3A_295 = arith.constant 0.000000e+00 : f32
    %broadcast_in_dim3A_296 = vector.shape_cast %slice3A_294 : vector<512x1xf32> to vector<512x1xf32>
    %broadcast_in_dim3A_297 = vector.broadcast %broadcast_in_dim3A_296 : vector<512x1xf32> to vector<512x16xf32>
    %broadcast_in_dim3A_298 = vector.broadcast %jit3A_295 : f32 to vector<512x16xf32>
    %select_n3A_299 = arith.select %eq3A_293, %broadcast_in_dim3A_297, %broadcast_in_dim3A_298 : vector<512x16xi1>, vector<512x16xf32>
    %add3A_300 = arith.addf %add3A_290, %select_n3A_299 : vector<512x16xf32>
    %eq3A_301 = arith.constant 29 : i32
    %eq3A_302 = vector.broadcast %eq3A_301 : i32 to vector<512x16xi32>
    %eq3A_303 = arith.cmpi eq, %get3A_14, %eq3A_302 : vector<512x16xi32>
    %slice3A_304 = vector.extract_strided_slice %dot_general3A_11 {offsets = [0, 29], sizes = [512, 1], strides = [1, 1]} : vector<512x32xf32> to vector<512x1xf32>
    %jit3A_305 = arith.constant 0.000000e+00 : f32
    %broadcast_in_dim3A_306 = vector.shape_cast %slice3A_304 : vector<512x1xf32> to vector<512x1xf32>
    %broadcast_in_dim3A_307 = vector.broadcast %broadcast_in_dim3A_306 : vector<512x1xf32> to vector<512x16xf32>
    %broadcast_in_dim3A_308 = vector.broadcast %jit3A_305 : f32 to vector<512x16xf32>
    %select_n3A_309 = arith.select %eq3A_303, %broadcast_in_dim3A_307, %broadcast_in_dim3A_308 : vector<512x16xi1>, vector<512x16xf32>
    %add3A_310 = arith.addf %add3A_300, %select_n3A_309 : vector<512x16xf32>
    %eq3A_311 = arith.constant 30 : i32
    %eq3A_312 = vector.broadcast %eq3A_311 : i32 to vector<512x16xi32>
    %eq3A_313 = arith.cmpi eq, %get3A_14, %eq3A_312 : vector<512x16xi32>
    %slice3A_314 = vector.extract_strided_slice %dot_general3A_11 {offsets = [0, 30], sizes = [512, 1], strides = [1, 1]} : vector<512x32xf32> to vector<512x1xf32>
    %jit3A_315 = arith.constant 0.000000e+00 : f32
    %broadcast_in_dim3A_316 = vector.shape_cast %slice3A_314 : vector<512x1xf32> to vector<512x1xf32>
    %broadcast_in_dim3A_317 = vector.broadcast %broadcast_in_dim3A_316 : vector<512x1xf32> to vector<512x16xf32>
    %broadcast_in_dim3A_318 = vector.broadcast %jit3A_315 : f32 to vector<512x16xf32>
    %select_n3A_319 = arith.select %eq3A_313, %broadcast_in_dim3A_317, %broadcast_in_dim3A_318 : vector<512x16xi1>, vector<512x16xf32>
    %add3A_320 = arith.addf %add3A_310, %select_n3A_319 : vector<512x16xf32>
    %eq3A_321 = arith.constant 31 : i32
    %eq3A_322 = vector.broadcast %eq3A_321 : i32 to vector<512x16xi32>
    %eq3A_323 = arith.cmpi eq, %get3A_14, %eq3A_322 : vector<512x16xi32>
    %slice3A_324 = vector.extract_strided_slice %dot_general3A_11 {offsets = [0, 31], sizes = [512, 1], strides = [1, 1]} : vector<512x32xf32> to vector<512x1xf32>
    %jit3A_325 = arith.constant 0.000000e+00 : f32
    %broadcast_in_dim3A_326 = vector.shape_cast %slice3A_324 : vector<512x1xf32> to vector<512x1xf32>
    %broadcast_in_dim3A_327 = vector.broadcast %broadcast_in_dim3A_326 : vector<512x1xf32> to vector<512x16xf32>
    %broadcast_in_dim3A_328 = vector.broadcast %jit3A_325 : f32 to vector<512x16xf32>
    %select_n3A_329 = arith.select %eq3A_323, %broadcast_in_dim3A_327, %broadcast_in_dim3A_328 : vector<512x16xi1>, vector<512x16xf32>
    %add3A_330 = arith.addf %add3A_320, %select_n3A_329 : vector<512x16xf32>
    %reduce_max3A = arith.constant dense<0xFF800000> : vector<512xf32>
    %reduce_max3A_331 = vector.multi_reduction <maximumf>, %add3A_330, %reduce_max3A [1] : vector<512x16xf32> to vector<512xf32>
    %broadcast_in_dim3A_332 = vector.shape_cast %reduce_max3A_331 : vector<512xf32> to vector<512x1xf32>
    %sub3A = vector.broadcast %broadcast_in_dim3A_332 : vector<512x1xf32> to vector<512x16xf32>
    %sub3A_333 = arith.subf %add3A_330, %sub3A : vector<512x16xf32>
    %exp3A = math.exp %sub3A_333 : vector<512x16xf32>
    %reduce_sum3A = arith.constant dense<0.000000e+00> : vector<512xf32>
    %reduce_sum3A_334 = vector.multi_reduction <add>, %exp3A, %reduce_sum3A [1] : vector<512x16xf32> to vector<512xf32>
    %broadcast_in_dim3A_335 = vector.shape_cast %reduce_sum3A_334 : vector<512xf32> to vector<512x1xf32>
    %div3A = vector.broadcast %broadcast_in_dim3A_335 : vector<512x1xf32> to vector<512x16xf32>
    %div3A_336 = arith.divf %exp3A, %div3A : vector<512x16xf32>
    %get3A_337 = arith.constant 0 : index
    %get3A_338 = arith.constant 0 : index
    %get3A_339 = vector.load %arg4[%get3A_337, %get3A_338] : memref<8192x32xf32, #tpu.memory_space<vmem>>, vector<8192x32xf32>
    %get3A_340 = arith.constant 0 : index
    %get3A_341 = arith.constant 0 : index
    %get3A_342 = vector.load %arg5[%get3A_340, %get3A_341] : memref<8192x32xf32, #tpu.memory_space<vmem>>, vector<8192x32xf32>
    %add3A_343 = arith.addf %get3A_339, %get3A_342 : vector<8192x32xf32>
    %dot_general3A_344 = arith.constant dense<0.000000e+00> : vector<8192x32xf32>
    %dot_general3A_345 = tpu.matmul %add3A_343, %get3A_7, %dot_general3A_344 {dimension_numbers = #tpu.dot_dimension_numbers<[1], [1], [0], [0], [0, 0, 1, 0], [], []>, transpose_lhs_hint = false} : vector<8192x32xf32>, vector<32x32xf32>, vector<8192x32xf32> -> vector<8192x32xf32>
    %add3A_346 = vector.broadcast %get3A_10 : vector<1x32xf32> to vector<8192x32xf32>
    %add3A_347 = arith.addf %dot_general3A_345, %add3A_346 : vector<8192x32xf32>
    %max3A = arith.constant 0.000000e+00 : f32
    %max3A_348 = vector.broadcast %max3A : f32 to vector<8192x32xf32>
    %max3A_349 = arith.maximumf %add3A_347, %max3A_348 : vector<8192x32xf32>
    %broadcast_in_dim3A_350 = vector.shape_cast %div3A_336 : vector<512x16xf32> to vector<512x16x1xf32>
    %reshape3A = vector.shape_cast %get3A_339 : vector<8192x32xf32> to vector<512x16x32xf32>
    %mul3A = vector.broadcast %broadcast_in_dim3A_350 : vector<512x16x1xf32> to vector<512x16x32xf32>
    %mul3A_351 = arith.mulf %mul3A, %reshape3A : vector<512x16x32xf32>
    %reduce_sum3A_352 = arith.constant dense<0.000000e+00> : vector<512x32xf32>
    %reduce_sum3A_353 = vector.multi_reduction <add>, %mul3A_351, %reduce_sum3A_352 [1] : vector<512x16x32xf32> to vector<512x32xf32>
    %get3A_354 = arith.constant 0 : index
    %get3A_355 = arith.constant 0 : index
    %get3A_356 = vector.load %arg2[%get3A_354, %get3A_355] : memref<512x32xf32, #tpu.memory_space<vmem>>, vector<512x32xf32>
    %add3A_357 = arith.addf %get3A_356, %reduce_sum3A_353 : vector<512x32xf32>
    %dot_general3A_358 = arith.constant dense<0.000000e+00> : vector<512x32xf32>
    %dot_general3A_359 = tpu.matmul %add3A_357, %get3A_7, %dot_general3A_358 {dimension_numbers = #tpu.dot_dimension_numbers<[1], [1], [0], [0], [0, 0, 1, 0], [], []>, transpose_lhs_hint = false} : vector<512x32xf32>, vector<32x32xf32>, vector<512x32xf32> -> vector<512x32xf32>
    %add3A_360 = vector.broadcast %get3A_10 : vector<1x32xf32> to vector<512x32xf32>
    %add3A_361 = arith.addf %dot_general3A_359, %add3A_360 : vector<512x32xf32>
    %max3A_362 = arith.constant 0.000000e+00 : f32
    %max3A_363 = vector.broadcast %max3A_362 : f32 to vector<512x32xf32>
    %max3A_364 = arith.maximumf %add3A_361, %max3A_363 : vector<512x32xf32>
    %broadcast_in_dim3A_365 = vector.shape_cast %div3A_336 : vector<512x16xf32> to vector<512x16x1xf32>
    %reshape3A_366 = vector.shape_cast %max3A_349 : vector<8192x32xf32> to vector<512x16x32xf32>
    %mul3A_367 = vector.broadcast %broadcast_in_dim3A_365 : vector<512x16x1xf32> to vector<512x16x32xf32>
    %mul3A_368 = arith.mulf %mul3A_367, %reshape3A_366 : vector<512x16x32xf32>
    %reduce_sum3A_369 = arith.constant dense<0.000000e+00> : vector<512x32xf32>
    %reduce_sum3A_370 = vector.multi_reduction <add>, %mul3A_368, %reduce_sum3A_369 [1] : vector<512x16x32xf32> to vector<512x32xf32>
    %add3A_371 = arith.addf %max3A_364, %reduce_sum3A_370 : vector<512x32xf32>
    %dot_general3A_372 = arith.constant dense<0.000000e+00> : vector<512x32xf32>
    %dot_general3A_373 = tpu.matmul %add3A_371, %get3A_7, %dot_general3A_372 {dimension_numbers = #tpu.dot_dimension_numbers<[1], [1], [0], [0], [0, 0, 1, 0], [], []>, transpose_lhs_hint = false} : vector<512x32xf32>, vector<32x32xf32>, vector<512x32xf32> -> vector<512x32xf32>
    %add3A_374 = vector.broadcast %get3A_10 : vector<1x32xf32> to vector<512x32xf32>
    %add3A_375 = arith.addf %dot_general3A_373, %add3A_374 : vector<512x32xf32>
    %tanh3A = math.tanh %add3A_375 : vector<512x32xf32>
    %mul3A_376 = arith.mulf %get3A_1, %tanh3A : vector<512x32xf32>
    %reduce_sum3A_377 = arith.constant dense<0.000000e+00> : vector<512xf32>
    %reduce_sum3A_378 = vector.multi_reduction <add>, %mul3A_376, %reduce_sum3A_377 [1] : vector<512x32xf32> to vector<512xf32>
    %logistic3A = arith.negf %reduce_sum3A_378 : vector<512xf32>
    %logistic3A_379 = math.exp %logistic3A : vector<512xf32>
    %logistic3A_380 = arith.constant 1.000000e+00 : f32
    %logistic3A_381 = vector.broadcast %logistic3A_380 : f32 to vector<512xf32>
    %logistic3A_382 = arith.addf %logistic3A_381, %logistic3A_379 : vector<512xf32>
    %logistic3A_383 = arith.divf %logistic3A_381, %logistic3A_382 : vector<512xf32>
    %reshape3A_384 = vector.shape_cast %logistic3A_383 : vector<512xf32> to vector<1x1x512xf32>
    %swap3A = arith.constant 0 : index
    %swap3A_385 = arith.constant 0 : index
    %swap3A_386 = arith.constant 0 : index
    %swap3A_387 = vector.load %arg9[%swap3A, %swap3A_385, %swap3A_386] : memref<1x1x512xf32, #tpu.memory_space<vmem>>, vector<1x1x512xf32>
    tpu.vector_store %arg9[%swap3A, %swap3A_385, %swap3A_386], %reshape3A_384 {strides = array<i32>} : memref<1x1x512xf32, #tpu.memory_space<vmem>>, vector<1x1x512xf32>,
    return
  }
  func.func @transform_0(%arg0: i32) -> (i32, i32) {
    %c0_i32 = arith.constant 0 : i32
    %c0_i32_0 = arith.constant 0 : i32
    return %arg0, %c0_i32 : i32, i32
  }
  func.func @transform_1(%arg0: i32) -> (i32, i32) {
    %c0_i32 = arith.constant 0 : i32
    %c0_i32_0 = arith.constant 0 : i32
    return %arg0, %c0_i32 : i32, i32
  }
  func.func @transform_2(%arg0: i32) -> (i32, i32) {
    %c0_i32 = arith.constant 0 : i32
    %c0_i32_0 = arith.constant 0 : i32
    return %arg0, %c0_i32 : i32, i32
  }
  func.func @transform_3(%arg0: i32) -> (i32, i32) {
    %c0_i32 = arith.constant 0 : i32
    %c0_i32_0 = arith.constant 0 : i32
    return %arg0, %c0_i32 : i32, i32
  }
  func.func @transform_4(%arg0: i32) -> (i32, i32) {
    %c0_i32 = arith.constant 0 : i32
    %c0_i32_0 = arith.constant 0 : i32
    return %arg0, %c0_i32 : i32, i32
  }
  func.func @transform_5(%arg0: i32) -> (i32, i32) {
    %c0_i32 = arith.constant 0 : i32
    %c0_i32_0 = arith.constant 0 : i32
    %c0_i32_1 = arith.constant 0 : i32
    return %c0_i32, %c0_i32_0 : i32, i32
  }
  func.func @transform_6(%arg0: i32) -> (i32, i32) {
    %c0_i32 = arith.constant 0 : i32
    %c0_i32_0 = arith.constant 0 : i32
    %c0_i32_1 = arith.constant 0 : i32
    return %c0_i32, %c0_i32_0 : i32, i32
  }
  func.func @transform_7(%arg0: i32) -> (i32, i32) {
    %c0_i32 = arith.constant 0 : i32
    %c0_i32_0 = arith.constant 0 : i32
    %c0_i32_1 = arith.constant 0 : i32
    return %c0_i32, %c0_i32_0 : i32, i32
  }
  func.func @transform_8(%arg0: i32) -> (i32, i32, i32) {
    %c0_i32 = arith.constant 0 : i32
    %c0_i32_0 = arith.constant 0 : i32
    %c0_i32_1 = arith.constant 0 : i32
    return %arg0, %c0_i32, %c0_i32_0 : i32, i32, i32
  }
}

</mosaic_0001>

<sc_bundles>
// kernel: kernel.5.cloned.1.call-start
scs
__scs_entry_jumppad:
0x0: {  	(pc) =	sbr.rel $0x88, $3  }
0x1: {  	(tag) =	ssettag $0x0;
	lr =	simm.s32 $0x1  }
0x2: {  	[smem:$0x3F99] =	sst lr;
	_ =	strace $0xD0000000  }
0x3: {  	_ = 	snop  }
0x4: {  	_ = 	snop  }
0x5: {  	_ = 	snop  }
0x6: {  	_ = 	snop  }
0x7: {  	_ = 	snop  }
__scs_overlays_trampoline_lowered:
0x8: {  	[smem:$0x3FA8] =	sst s0  }
0x9: {  	[smem:$0x3FA9] =	sst s1  }
0xa: {  	[smem:$0x3FAA] =	sst s2  }
0xb: {  	[smem:$0x3FAB] =	sst s3  }
0xc: {  	[smem:$0x3FAC] =	sst s4  }
0xd: {  	[smem:$0x3FAD] =	sst s5  }
0xe: {  	[smem:$0x3FAE] =	sst s6  }
0xf: {  	[smem:$0x3FAF] =	sst s7  }
0x10: {  	[smem:$0x3FB0] =	sst s8  }
0x11: {  	[smem:$0x3FB1] =	sst s9;
	s0 =	simm.s32 @!p0 $0x0  }
0x12: {  	s1 =	sld [smem:$0x3F97];
	s0 =	simm.s32 @p0 $0x1  }
0x13: {  	[smem:$0x3FB2] =	sst s0;
	s0 =	simm.s32 @!p1 $0x0  }
0x14: {  	s2 =	sld [smem:$0x3F96];
	s0 =	simm.s32 @p1 $0x1  }
0x15: {  	[smem:$0x3FB3] =	sst s0;
	s0 =	simm.s32 @!p2 $0x0  }
0x16: {  	s3 =	sld [smem:$0x3FDB];
	s0 =	simm.s32 @p2 $0x1  }
0x17: {  	s4 =	simm.s32 $0x1BF5;
	[smem:$0x3FB5] =	sst s0  }
0x18: {  	s0 =	sld [smem:$0x3F98];
	_ =	swait.ge [sflag:s4], $0x0  }
0x19: {  	s7 =	sld [smem:$0x3F99]  }
0x1a: {  	s8 =	sadd.s32 $0xFFFFE003, lr  }
0x1b: {  	s9 =	sadd.s32 $0xFFFFFEF7, lr;
	s5 =	simm.s32 $0xFFFFFFFF;
	p2 =	slt.u32 s8, $0xFFFFF086  }
0x1c: {  	p1 =	slt.u32 s9, $0xF7A;
	s5 =	simm.s32 @!p2 $0x0  }
0x1d: {  	s5 =	simm.s32 @p1 $0x1;
	p0 =	seq.s32 s7, s2  }
0x1e: {  	s7 =	smul.u32 @!p0 $0xF7A, s2;
	p2 =	seq.s32 @!p0 s5, $0x0  }
0x1f: {  	s9 =	smul.u32 $0xF7A, s1;
	s8 =	simm.s32 @!p0 $0x1BF5;
	p2 =	por !p2, p0  }
0x20: {  	[sflag:s8] =	ssyncset.s32 @!p0 $0xFFFFF086;
	s6 =	sadd.s32 @!p0 s3, s7;
	s7 =	simm.s32 @!p0 $0x108  }
0x21: {  	s3 =	sadd.s32 s3, s9;
	s6 =	sadd.s32 @!p0 $0x88, s6;
	s7 =	simm.s32 @p2 $0x1082  }
0x22: {  	[simem:s7], [sflag:s8] =	dma.local @!p0 [hbm:s6], $0xF7A  }
0x23: {  	s9 =	sor.u32 $0xD0000000, s2;
	s6 =	simm.s32 $0x108;
	_ =	swait.ge @!p0 [sflag:s8], $0x0  }
0x24: {  	s3 =	sadd.s32 $0x88, s3;
	s6 =	simm.s32 @!p1 $0x1082;
	[sflag:s4] =	ssyncset.s32 $0xFFFFF086  }
0x25: {  	[simem:s6], [sflag:s4] =	dma.local [hbm:s3], $0xF7A  }
0x26: {  	[smem:$0x3F99] =	sst s1;
	(tag) =	ssettag s2;
	_ =	strace s9  }
0x27: {  	s1 =	sld [smem:$0x3FA9]  }
0x28: {  	s2 =	sld [smem:$0x3FAA]  }
0x29: {  	s4 =	sld [smem:$0x3FAC]  }
0x2a: {  	p0 =	seq.s32 s5, $0x0;
	s5 =	sld [smem:$0x3FAD]  }
0x2b: {  	s6 =	sld [smem:$0x3FAE]  }
0x2c: {  	s7 =	sld [smem:$0x3FAF]  }
0x2d: {  	s3 =	simm.s32 $0x108;
	s8 =	sld [smem:$0x3FB0]  }
0x2e: {  	s3 =	simm.s32 @!p0 $0x1082;
	s9 =	sld [smem:$0x3FB1]  }
0x2f: {  	lr =	sadd.s32 s0, s3;
	s0 =	sld [smem:$0x3FA8]  }
0x30: {  	s3 =	sld [smem:$0x3FAB]  }
0x31: {  	[smem:$0x3FB4] =	sst s10  }
0x32: {  	s10 =	sld [smem:$0x3FB2];
	_ =	sdelay $0x3  }
0x33: {  	p0 =	seq.s32 s10, $0x1;
	s10 =	sld [smem:$0x3FB4];
	_ =	sdelay $0x3  }
0x34: {  	[smem:$0x3FB4] =	sst s10  }
0x35: {  	s10 =	sld [smem:$0x3FB3];
	_ =	sdelay $0x3  }
0x36: {  	p1 =	seq.s32 s10, $0x1;
	s10 =	sld [smem:$0x3FB4];
	_ =	sdelay $0x3  }
0x37: {  	[smem:$0x3FB4] =	sst s10  }
0x38: {  	s10 =	sld [smem:$0x3FB5]  }
0x39: {  	_ = 	snop;
	(pc) =	sbr.ind lr, $3  }
0x3a: {  	_ = 	snop  }
0x3b: {  	_ = 	snop  }
0x3c: {  	p2 =	seq.s32 s10, $0x1;
	s10 =	sld [smem:$0x3FB4]  }
0x3d: {  	_ =	shalt  }
0x3e: {  	_ =	shalt  }
0x3f: {  	_ =	shalt  }
0x40: {  	_ =	shalt  }
0x41: {  	_ =	shalt  }
0x42: {  	_ =	shalt  }
0x43: {  	_ =	shalt  }
0x44: {  	_ =	shalt  }
0x45: {  	_ =	shalt  }
0x46: {  	_ =	shalt  }
0x47: {  	_ =	shalt  }
0x48: {  	_ =	shalt  }
0x49: {  	_ =	shalt  }
0x4a: {  	_ =	shalt  }
0x4b: {  	_ =	shalt  }
0x4c: {  	_ =	shalt  }
0x4d: {  	_ =	shalt  }
0x4e: {  	_ =	shalt  }
0x4f: {  	_ =	shalt  }
0x50: {  	_ =	shalt  }
0x51: {  	_ =	shalt  }
0x52: {  	_ =	shalt  }
0x53: {  	_ =	shalt  }
0x54: {  	_ =	shalt  }
0x55: {  	_ =	shalt  }
0x56: {  	_ =	shalt  }
0x57: {  	_ =	shalt  }
0x58: {  	_ =	shalt  }
0x59: {  	_ =	shalt  }
0x5a: {  	_ =	shalt  }
0x5b: {  	_ =	shalt  }
0x5c: {  	_ =	shalt  }
0x5d: {  	_ =	shalt  }
0x5e: {  	_ =	shalt  }
0x5f: {  	_ =	shalt  }
0x60: {  	_ =	shalt  }
0x61: {  	_ =	shalt  }
0x62: {  	_ =	shalt  }
0x63: {  	_ =	shalt  }
0x64: {  	_ =	shalt  }
0x65: {  	_ =	shalt  }
0x66: {  	_ =	shalt  }
0x67: {  	_ =	shalt  }
0x68: {  	_ =	shalt  }
0x69: {  	_ =	shalt  }
0x6a: {  	_ =	shalt  }
0x6b: {  	_ =	shalt  }
0x6c: {  	_ =	shalt  }
0x6d: {  	_ =	shalt  }
0x6e: {  	_ =	shalt  }
0x6f: {  	_ =	shalt  }
0x70: {  	_ =	shalt  }
0x71: {  	_ =	shalt  }
0x72: {  	_ =	shalt  }
0x73: {  	_ =	shalt  }
0x74: {  	_ =	shalt  }
0x75: {  	_ =	shalt  }
0x76: {  	_ =	shalt  }
0x77: {  	_ =	shalt  }
0x78: {  	_ =	shalt  }
0x79: {  	_ =	shalt  }
0x7a: {  	_ =	shalt  }
0x7b: {  	_ =	shalt  }
0x7c: {  	_ =	shalt  }
0x7d: {  	_ =	shalt  }
0x7e: {  	_ =	shalt  }
0x7f: {  	_ =	shalt  }
0x80: {  	_ =	shalt  }
0x81: {  	_ =	shalt  }
0x82: {  	_ =	shalt  }
0x83: {  	_ =	shalt  }
0x84: {  	_ =	shalt  }
0x85: {  	_ =	shalt  }
0x86: {  	_ =	shalt  }
0x87: {  	_ =	shalt  }
.Lfunc_end0:
.L_simem_size_0:
called_computation_lowered:
.L_overlay_start_0:
0x88: {  	s2 =	sld [smem:$0x3FD9]  }
0x89: {  	s3 =	sld [smem:$0x3FFE];
	_ =	sdelay $0x1  }
0x8a: {  	s1 =	srdreg.scid  }
0x8b: {  	s0 =	sand.u32 $0x1, s1  }
0x8c: {  	s17 =	sshll.u32 s0, $0xA;
	s2 =	sadd.s32 s3, s2  }
0x8d: {  	s2 =	sadd.s32 s2, s17  }
0x8e: {  	[smem:$0x3FC0] =	sst s2  }
0x8f: {  	_ = 	snop  }
0x90: {  	s2 =	sld [smem:$0x3FD0];
	(tm) =	ssettm $0x1  }
0x91: {  	s18 =	sld [smem:$0x3FFB];
	_ =	sdelay $0x3  }
0x92: {  	_ =	strace s18  }
0x93: {  	s3 =	sld [smem:$0x3FFC];
	_ =	sdelay $0x3  }
0x94: {  	_ =	strace s3  }
0x95: {  	s3 =	sld [smem:$0x3FFD];
	_ =	sdelay $0x3  }
0x96: {  	_ =	strace s3  }
0x97: {  	_ =	strace $0x8FFFFFFF  }
0x98: {  	s19 =	sld [smem:$0x3FDB];
	_ =	sdelay $0x1  }
0x99: {  	s4 =	simm.s32 $_scs_section_size  }
0x9a: {  	s5 =	simm.s32 $_size__tile_overlayer_lowered;
	s6 =	simm.s32 $_tile_overlayer_lowered  }
0x9b: {  	s22 =	simm.s32 $0x1BFF;
	s21 =	sshll.u32 s6, $0x1;
	s3 =	sadd.s32 s4, s19  }
0x9c: {  	s7 =	simm.s32 $0x0;
	s20 =	sshll.u32 s5, $0x1;
	s5 =	sadd.s32 s21, s3  }
0x9d: {  	[timem:s7], [sflag:s22] =	dma.local [hbm:s5], s20  }
0x9e: {  	_ =	swait.ge [sflag:s22], s20  }
0x9f: {  	s4 =	ssub.s32 $0x0, s20;
	[sflag:s22] =	ssyncset.done $0x0  }
0xa0: {  	[sflag:s22] =	ssyncadd.s32 s4;
	_ =	sdelay $0x1  }
0xa1: {  	s23 =	simm.s32 $0x1B8B  }
0xa2: {  	_ =	swait.ge [sflag:s23], $0x1  }
0xa3: {  	[sflag:s23] =	ssyncset.done $0x0  }
0xa4: {  	s25 =	simm.s32 $0x1B8E;
	s24 =	sld [smem:$0x3FFE];
	[sflag:s23] =	ssyncadd.s32 $0xFFFFFFFF  }
0xa5: {  	s26 =	simm.s32 $execute0_lowered;
	[smem:$0x3FD2] =	sst s25  }
0xa6: {  	s5 =	sshll.u32 s26, $0x1;
	_ =	strace $0x80000046;
	[dreg:$0x1] =	wrdreg $0xFFFFFFFF  }
0xa7: {  	s28 =	simm.s32 $_size_execute0_lowered;
	s3 =	sadd.s32 s3, s5;
	[dreg:$0x0] =	wrdreg $0x0  }
0xa8: {  	s5 =	sshll.u32 s28, $0x1;
	[dreg:$0x2] =	wrdreg s3  }
0xa9: {  	[dreg:$0x3] =	wrdreg s5  }
0xaa: {  	[dreg:$0x4] =	wrdreg $0xC0  }
0xab: {  	_ =	task [dreg:s7], $0x5FFFF  }
0xac: {  	[dreg:$0x1] =	wrdreg $0xFFFFFFFF  }
0xad: {  	[dreg:$0x0] =	wrdreg $0x60  }
0xae: {  	[dreg:$0x2] =	wrdreg s24  }
0xaf: {  	[dreg:$0x3] =	wrdreg s2  }
0xb0: {  	[dreg:$0x4] =	wrdreg $0x9  }
0xb1: {  	_ =	task.clear_ibuf [dreg:s7], $0x5FFFF;
	_ =	strace $0x90000046  }
0xb2: {  	s29 =	simm.s32 $0x9;
	_ =	strace $0x80000048  }
0xb3: {  	_ =	swait.ge [sflag:s29], $0x1  }
0xb4: {  	[sflag:s29] =	ssyncadd.s32 $0xFFFFFFFF  }
0xb5: {  	_ =	strace $0x90000048  }
0xb6: {  	_ =	sfence  }
0xb7: {  	s30 =	sld [smem:$0x0];
	_ =	sdelay $0x2  }
0xb8: {  	s31 =	sshll.u32 s1, $0xD;
	s1 =	sshrl.u32 s1, $0x2  }
0xb9: {  	s3 =	sand.u32 $0x4000, s31;
	s1 =	sadd.s32 s1, s30  }
0xba: {  	s0 =	sor.u32 s3, s0;
	s1 =	sshll.u32 s1, $0x11  }
0xbb: {  	s0 =	sor.u32 s1, s0  }
0xbc: {  	s0 =	sadd.s32 $0x8F2B, s0  }
0xbd: {  	[sflag:s0] =	ssyncadd.remote.s32 $0x1  }
0xbe: {  	_ =	sfence.sel $0xFFFF  }
0xbf: {  	[dreg:$0x0] =	wrdreg $0xFFFFFFFF;
	(pc) =	sbr.abs _section_cstart, $3  }
0xc0: {  	[dreg:$0x1] =	wrdreg $0xFFFFFFFF  }
0xc1: {  	_ =	task.clear_ibuf [dreg:s7], $0x2FFFF;
	_ =	strace $0x9FFFFFFF  }
0xc2: {  	(tm) =	ssettm $0x7FFFFFFF  }
0xc3: {  	_ =	shalt  }
tec
execute0_lowered:
.L_overlay_start_1:
0x0: {  	(tag) =	ssettag $0x1  }
0x1: {  	s0 =	rddreg [dreg:$0x0]  }
0x2: {  	s1 =	rddreg [dreg:$0x1]  }
0x3: {  	s2 =	simm.s32 $0x0;
	s3 =	srdreg.scid;
	s4 =	stileid.u32  }
0x4: {  	s20 =	simm.s32 $0x3100;
	s31 =	simm.s32 $0x5D00;
	s19 =	simm.s32 $0xF100  }
0x5: {  	s21 =	simm.s32 $0x18100;
	[smem:$0x7FF] =	sst s2;
	s6 =	sand.u32 $0x1, s3  }
0x6: {  	s22 =	sshll.u32 s4, $0x1;
	s3 =	sadd.s32 $0xF43C00, s0;
	s4 =	sadd.s32 $0x112C200, s0  }
0x7: {  	s17 =	simm.s32 $0x2;
	s5 =	sadd.s32 $0x1314800, s0;
	s8 =	sadd.s32 $0x188200, s0  }
0x8: {  	s23 =	sadd.s32 $0x1800, s0;
	_ =	strace $0x80000047;
	[dreg:$0x3] =	wrdreg s8  }
0x9: {  	s7 =	sor.u32 s6, s22;
	[dreg:$0x4] =	wrdreg s23;
	s6 =	ssub.s32 $0x2, s6  }
0xa: {  	s8 =	sadd.s32 $0x6D400, s0;
	s22 =	simm.s32 $0x6900;
	s23 =	simm.s32 $0x17100  }
0xb: {  	s10 =	sshll.u32 s7, $0x4;
	s24 =	sshll.u32 s7, $0x9;
	s9 =	sshll.u32 s7, $0x8  }
0xc: {  	s14 =	sshrl.u32 s6, $0x1;
	s15 =	sshll.u32 s7, $0xD;
	s7 =	simm.s32 $0x6D00  }
0xd: {  	s11 =	sadd.s32 s10, s0;
	s12 =	sadd.s32 s24, s0;
	s13 =	sadd.s32 s9, s0  }
0xe: {  	s9 =	sadd.s32 $0xAD400, s0;
	s25 =	ssub.s32 s6, s14;
	s1 =	sadd.s32 s1, s10  }
0xf: {  	s24 =	simm.s32 $0x1;
	s26 =	sadd.s32 $0x1600, s11;
	[dreg:$0x6] =	wrdreg s1  }
0x10: {  	v0 =	vimm.s32 $0x7;
	v1 =	vimm.s32 $0x1;
	v12 =	vimm.s32 $0xD;
	s6 =	simm.s32 $0x7100;
	s28 =	sadd.s32 $0x63400, s12;
	[dreg:$0x5] =	wrdreg s26  }
0x11: {  	v2 =	vimm.s32 $0x2;
	v3 =	vimm.s32 $0x3;
	v4 =	vimm.s32 $0x4;
	s29 =	sadd.s32 $0x67400, s12;
	s30 =	sadd.s32 $0x6B400, s13;
	[dreg:$0x7] =	wrdreg s28  }
0x12: {  	v5 =	vimm.s32 $0x5;
	v6 =	vimm.s32 $0x6;
	v7 =	vimm.s32 $0x8;
	s0 =	smax.u32 s25, $0x1;
	s25 =	simm.s32 $0x40;
	[dreg:$0x8] =	wrdreg s29  }
0x13: {  	v8 =	vimm.s32 $0x9;
	v9 =	vimm.s32 $0xA;
	v13 =	vimm.s32 $0xE;
	s1 =	simm.s32 $0x400;
	s11 =	simm.s32 $0x0;
	[dreg:$0x9] =	wrdreg s30  }
0x14: {  	v10 =	vimm.s32 $0xB;
	v11 =	vimm.s32 $0xC;
	v14 =	vimm.s32 $0xF;
	[dreg:$0xa] =	wrdreg s0;
	s26 =	simm.s32 $0x4900;
	s0 =	simm.s32 $0x6500  }
.LBB2_1:
0x15: {  	[dreg:$0xb] =	wrdreg s11  }
0x16: {  	s10 =	rddreg [dreg:$0x5]  }
0x17: {  	[tilespmem:s2], [sflag:$0x2] =	stream.linear.gather [hbm4b:s10+s2], $0x80, $0x38;
	[tilespmem:$0x18110] =	vst v63  }
0x18: {  	_ =	swait.ge [sflag:s17], $0x80  }
0x19: {  	[sflag:s17] =	ssyncset.done $0x0  }
0x1a: {  	s30 =	simm.s32 $0x80;
	s29 =	rddreg [dreg:$0x6];
	[sflag:s17] =	ssyncadd.s32 $0xFFFFFF80  }
0x1b: {  	[tilespmem:s30], [sflag:$0x2] =	stream.linear.gather [hbm4b:s29+s2], $0x80, $0x38;
	[tilespmem:$0x18110] =	vst v63  }
0x1c: {  	_ =	swait.ge [sflag:s17], $0x80  }
0x1d: {  	[sflag:s17] =	ssyncset.done $0x0  }
0x1e: {  	s12 =	simm.s32 $0x100;
	s14 =	rddreg [dreg:$0x3];
	[sflag:s17] =	ssyncadd.s32 $0xFFFFFF80  }
0x1f: {  	[tilespmem:s12], [sflag:$0x1] =	stream.indirect.gather [hbm4b:s14+s30], $0x20, s2, s30, $0xb8;
	[tilespmem:$0x18110] =	vst v63  }
0x20: {  	s16 =	rddreg [dreg:$0x4]  }
0x21: {  	[tilespmem:s20], [sflag:$0x1] =	stream.indirect.gather [hbm4b:s16+s30], $0x20, s2, s30, $0xb8;
	[tilespmem:$0x18110] =	vst v63  }
0x22: {  	s13 =	simm.s32 $0x1100  }
0x23: {  	[tilespmem:s13], [sflag:$0x1] =	stream.indirect.gather [hbm4b:s5+s30], $0x20, s30, s30, $0xb8;
	[tilespmem:$0x18110] =	vst v63  }
0x24: {  	s18 =	simm.s32 $0x2100  }
0x25: {  	[tilespmem:s18], [sflag:$0x1] =	stream.indirect.gather [hbm4b:s3+s30], $0x10, s30, s30, $0xb8;
	[tilespmem:$0x18110] =	vst v63  }
0x26: {  	s14 =	simm.s32 $0x2900  }
0x27: {  	[tilespmem:s14], [sflag:$0x1] =	stream.indirect.gather [hbm4b:s4+s30], $0x10, s30, s30, $0xb8;
	[tilespmem:$0x18110] =	vst v63  }
0x28: {  	_ =	swait.ge [sflag:s24], $0x1000  }
0x29: {  	[sflag:s24] =	ssyncset.done $0x0  }
0x2a: {  	[sflag:s24] =	ssyncadd.s32 $0xFFFFF000  }
0x2b: {  	_ =	swait.ge [sflag:s24], $0x1000  }
0x2c: {  	[sflag:s24] =	ssyncset.done $0x0  }
0x2d: {  	[sflag:s24] =	ssyncadd.s32 $0xFFFFF000  }
0x2e: {  	_ =	swait.ge [sflag:s24], $0x1000  }
0x2f: {  	[sflag:s24] =	ssyncset.done $0x0  }
0x30: {  	[sflag:s24] =	ssyncadd.s32 $0xFFFFF000  }
0x31: {  	_ =	swait.ge [sflag:s24], $0x800  }
0x32: {  	[sflag:s24] =	ssyncset.done $0x0  }
0x33: {  	[sflag:s24] =	ssyncadd.s32 $0xFFFFF800  }
0x34: {  	_ =	swait.ge [sflag:s24], $0x800  }
0x35: {  	[sflag:s24] =	ssyncset.done $0x0  }
0x36: {  	s28 =	rddreg [dreg:$0x7];
	[sflag:s24] =	ssyncadd.s32 $0xFFFFF800  }
0x37: {  	[hbm4b:s28+s2] =	stream.linear.scatter [tilespmem:s12], [sflag:$0x2], $0x1000, $0x38;
	[tilespmem:$0x18110] =	vst v63  }
0x38: {  	_ =	swait.ge [sflag:s17], $0x1000  }
0x39: {  	[sflag:s17] =	ssyncset.done $0x0  }
0x3a: {  	s29 =	rddreg [dreg:$0x8];
	[sflag:s17] =	ssyncadd.s32 $0xFFFFF000  }
0x3b: {  	[hbm4b:s29+s2] =	stream.linear.scatter [tilespmem:s13], [sflag:$0x2], $0x1000, $0x38;
	[tilespmem:$0x18110] =	vst v63  }
0x3c: {  	_ =	swait.ge [sflag:s17], $0x1000  }
0x3d: {  	[sflag:s17] =	ssyncset.done $0x0  }
0x3e: {  	s30 =	rddreg [dreg:$0x9];
	[sflag:s17] =	ssyncadd.s32 $0xFFFFF000  }
0x3f: {  	[hbm4b:s30+s2] =	stream.linear.scatter [tilespmem:s14], [sflag:$0x2], $0x800, $0x38;
	[tilespmem:$0x18110] =	vst v63  }
0x40: {  	_ =	swait.ge [sflag:s17], $0x800  }
0x41: {  	[sflag:s17] =	ssyncset.done $0x0  }
0x42: {  	s10 =	simm.s32 $0x0;
	[sflag:s17] =	ssyncadd.s32 $0xFFFFF800  }
0x43: {  	v15 =	vld [tilespmem:s10+$0x2100];
	_ =	sdelay $0x3  }
0x44: {  	s12 =	simm.s32 $0x40  }
.LBB2_2:
0x45: {  	p0 =	sne.s32 s12, $0x1FC0;
	[tilespmem:s10+$0x4100] =	vst v15;
	s10 =	sshra.s32 s12, $0x2;
	s12 =	sadd.s32 $0x40, s12  }
.Ltmp0:
0x46: {  	v15 =	vld [tilespmem:s10+$0x2100];
	(pc) =	sbr.rel @p0 .LBB2_2-.Ltmp0, $2  }
0x47: {  	_ =	sdelay $0x2  }
0x48: {  	s11 =	simm.s32 $0x0  }
0x49: {  	[tilespmem:s10+$0x4100] =	vst v15  }
.LBB2_4:
0x4a: {  	s10 =	sshll.u32 s11, $0x9  }
0x4b: {  	s12 =	sshrl.u32 s10, $0x2  }
0x4c: {  	s13 =	sadd.s32 $0x4100, s12  }
0x4d: {  	[tilespmem:s26], [sflag:$0x1] =	stream.indirect.gather [hbm4b:s5+s25], $0x20, s13, s25, $0xb8;
	[tilespmem:$0x18110] =	vst v63  }
0x4e: {  	s14 =	simm.s32 $0x5900  }
0x4f: {  	[tilespmem:s14], [sflag:$0x1] =	stream.indirect.gather [hbm4b:s3+s25], $0x10, s13, s25, $0xb8;
	[tilespmem:$0x18110] =	vst v63  }
0x50: {  	s29 =	simm.s32 $0x6100  }
0x51: {  	[tilespmem:s29], [sflag:$0x1] =	stream.indirect.gather [hbm4b:s4+s25], $0x10, s13, s25, $0xb8;
	[tilespmem:$0x18110] =	vst v63  }
0x52: {  	s30 =	simm.s32 $0x5100;
	s12 =	sadd.s32 $0x4140, s12  }
0x53: {  	[tilespmem:s30], [sflag:$0x1] =	stream.indirect.gather [hbm4b:s5+s25], $0x20, s12, s25, $0xb8;
	[tilespmem:$0x18110] =	vst v63  }
0x54: {  	_ = 	snop  }
0x55: {  	[tilespmem:s31], [sflag:$0x1] =	stream.indirect.gather [hbm4b:s3+s25], $0x10, s12, s25, $0xb8;
	[tilespmem:$0x18110] =	vst v63  }
0x56: {  	_ = 	snop  }
0x57: {  	[tilespmem:s0], [sflag:$0x1] =	stream.indirect.gather [hbm4b:s4+s25], $0x10, s12, s25, $0xb8;
	[tilespmem:$0x18110] =	vst v63  }
0x58: {  	_ =	swait.ge [sflag:s24], $0x400  }
0x59: {  	[sflag:s24] =	ssyncset.done $0x0  }
0x5a: {  	s12 =	simm.s32 $0x0;
	[sflag:s24] =	ssyncadd.s32 $0xFFFFFC00  }
0x5b: {  	s13 =	simm.s32 $0x40;
	v15 =	vld [tilespmem:s12+$0x5900]  }
.LBB2_5:
0x5c: {  	p0 =	sne.s32 s13, $0xFC0  }
.Ltmp1:
0x5d: {  	_ = 	snop;
	(pc) =	sbr.rel @p0 .LBB2_5-.Ltmp1, $3  }
0x5e: {  	_ =	sdelay $0x1  }
0x5f: {  	[tilespmem:s12+$0x6900] =	vst v15;
	s12 =	sshra.s32 s13, $0x2;
	s13 =	sadd.s32 $0x40, s13  }
0x60: {  	v15 =	vld [tilespmem:s12+$0x5900]  }
0x61: {  	_ =	sdelay $0x3  }
0x62: {  	[tilespmem:s12+$0x6900] =	vst v15  }
0x63: {  	[tilespmem:s6], [sflag:$0x1] =	stream.indirect.gather [hbm4b:s5+s1], $0x20, s22, s1, $0xb8;
	[tilespmem:$0x18110] =	vst v63  }
0x64: {  	_ =	swait.ge [sflag:s24], $0x400  }
0x65: {  	[sflag:s24] =	ssyncset.done $0x0  }
0x66: {  	s12 =	simm.s32 $0x0;
	[sflag:s24] =	ssyncadd.s32 $0xFFFFFC00  }
0x67: {  	s13 =	simm.s32 $0x40;
	v15 =	vld [tilespmem:s12+$0x5D00]  }
.LBB2_7:
0x68: {  	p0 =	sne.s32 s13, $0xFC0  }
.Ltmp2:
0x69: {  	_ = 	snop;
	(pc) =	sbr.rel @p0 .LBB2_7-.Ltmp2, $3  }
0x6a: {  	_ =	sdelay $0x1  }
0x6b: {  	[tilespmem:s12+$0x6D00] =	vst v15;
	s12 =	sshra.s32 s13, $0x2;
	s13 =	sadd.s32 $0x40, s13  }
0x6c: {  	v15 =	vld [tilespmem:s12+$0x5D00]  }
0x6d: {  	_ =	sdelay $0x3  }
0x6e: {  	[tilespmem:s12+$0x6D00] =	vst v15  }
0x6f: {  	[tilespmem:s19], [sflag:$0x1] =	stream.indirect.gather [hbm4b:s5+s1], $0x20, s7, s1, $0xb8;
	[tilespmem:$0x18110] =	vst v63  }
0x70: {  	_ =	swait.ge [sflag:s24], $0x800  }
0x71: {  	[sflag:s24] =	ssyncset.done $0x0  }
0x72: {  	[sflag:s24] =	ssyncadd.s32 $0xFFFFF800  }
0x73: {  	_ =	swait.ge [sflag:s24], $0x400  }
0x74: {  	[sflag:s24] =	ssyncset.done $0x0  }
0x75: {  	[sflag:s24] =	ssyncadd.s32 $0xFFFFFC00  }
0x76: {  	_ =	swait.ge [sflag:s24], $0x800  }
0x77: {  	[sflag:s24] =	ssyncset.done $0x0  }
0x78: {  	[sflag:s24] =	ssyncadd.s32 $0xFFFFF800  }
0x79: {  	_ =	swait.ge [sflag:s24], $0x400  }
0x7a: {  	s12 =	sadd.s32 s15, s10;
	[sflag:s24] =	ssyncset.done $0x0  }
0x7b: {  	s13 =	simm.s32 $0x0;
	s10 =	sadd.s32 s8, s12;
	[sflag:s24] =	ssyncadd.s32 $0xFFFFFC00  }
0x7c: {  	[hbm4b:s10+s13] =	stream.linear.scatter [tilespmem:s26], [sflag:$0x2], $0x1000, $0x38;
	[tilespmem:$0x18110] =	vst v63  }
0x7d: {  	_ =	swait.ge [sflag:s17], $0x1000  }
0x7e: {  	[sflag:s17] =	ssyncset.done $0x0  }
0x7f: {  	[sflag:s17] =	ssyncadd.s32 $0xFFFFF000  }
0x80: {  	_ =	swait.ge [sflag:s24], $0x8000  }
0x81: {  	[sflag:s24] =	ssyncset.done $0x0  }
0x82: {  	s14 =	simm.s32 $0x6100;
	[sflag:s24] =	ssyncadd.s32 $0xFFFF8000  }
0x83: {  	v15 =	vld [tilespmem:s14+$0x0];
	_ =	sdelay $0x2  }
0x84: {  	s13 =	sshll.u32 s11, $0x3  }
0x85: {  	s30 =	sadd.s32 $0x0, s13  }
0x86: {  	s10 =	sshll.u32 s30, $0x5;
	v16 =	vand.u32 $0xFFFFFFF8, v15  }
0x87: {  	v15 =	vand.u32 $0x7, v15;
	v16 =	vadd.s32 s10, v16  }
0x88: {  	v15 =	vor.u32 v15, v16;
	_ =	sdelay $0x4  }
0x89: {  	v15 =	vld.idx.msk [tilespmem:v15+s20+$0x0], $0xffff;
	_ =	sdelay $0x4  }
0x8a: {  	(xrf0) =	vmax.scan.msk.f32 $0xffff, v15;
	_ =	sdelay $0x5  }
0x8b: {  	v16, _, _ =	vpop (xrf0)  }
0x8c: {  	v16 =	vbroadcast v16, $0xF;
	_ =	sdelay $0x1  }
0x8d: {  	v15 =	vsub.f32 v15, v16;
	_ =	sdelay $0x1  }
0x8e: {  	v15 =	vmul.f32 $1.442695020e+00, v15;
	_ =	sdelay $0x1  }
0x8f: {  	(erf) = vpow2.f32 v15;
	_ =	sdelay $0x8  }
0x90: {  	v15 =	vpop (erf)  }
0x91: {  	(xrf2) =	vadd.scan.msk.f32 $0xffff, v15;
	_ =	sdelay $0x9  }
0x92: {  	v16, _, _ =	vpop (xrf2)  }
0x93: {  	v16 =	vbroadcast v16, $0xF;
	_ =	sdelay $0x1  }
0x94: {  	(erf) = vrcp.f32 v16;
	_ =	sdelay $0x8  }
0x95: {  	v16 =	vpop (erf)  }
0x96: {  	v15 =	vmul.f32 v16, v15;
	_ =	sdelay $0x1  }
0x97: {  	[tilespmem:$0x18100] =	vst v15  }
0x98: {  	s16 =	simm.s32 $0x7200;
	v18 =	vld.idx.msk [tilespmem:v8+s21+$0x0], $0xffff  }
0x99: {  	v23 =	vld [tilespmem:s16+$0x50]  }
0x9a: {  	v15 =	vld.idx.msk [tilespmem:v11+s21+$0x0], $0xffff  }
0x9b: {  	v16 =	vld [tilespmem:s16+$0xFFFFFF90]  }
0x9c: {  	v17 =	vld [tilespmem:s16+$0xFFFFFF60]  }
0x9d: {  	v19 =	vld [tilespmem:s16+$0xFFFFFF70]  }
0x9e: {  	v20 =	vld [tilespmem:s16+$0xFFFFFF40]  }
0x9f: {  	v21 =	vld.idx.msk [tilespmem:v3+s21+$0x0], $0xffff  }
0xa0: {  	v22 =	vld [tilespmem:s16+$0xFFFFFF50]  }
0xa1: {  	v24 =	vld.idx.msk [tilespmem:v4+s21+$0x0], $0xffff  }
0xa2: {  	v25 =	vld [tilespmem:s16+$0xFFFFFF20]  }
0xa3: {  	v26 =	vld.idx.msk [tilespmem:v2+s21+$0x0], $0xffff  }
0xa4: {  	v27 =	vld [tilespmem:s16+$0xFFFFFF30]  }
0xa5: {  	v28 =	vld.idx.msk [tilespmem:v1+s21+$0x0], $0xffff  }
0xa6: {  	v29 =	vld [tilespmem:s16+$0xFFFFFF10]  }
0xa7: {  	v30 =	vld.msk [tilespmem:s21+$0x0], $0xffff  }
0xa8: {  	v31 =	vld [tilespmem:s16+$0xFFFFFF00]  }
0xa9: {  	v32 =	vld.idx.msk [tilespmem:v7+s21+$0x0], $0xffff  }
0xaa: {  	v33 =	vld.idx.msk [tilespmem:v0+s21+$0x0], $0xffff  }
0xab: {  	v34 =	vld.idx.msk [tilespmem:v6+s21+$0x0], $0xffff  }
0xac: {  	v35 =	vld [tilespmem:s16+$0xFFFFFF80];
	v29 =	vmul.f32 v29, v30  }
0xad: {  	v60 =	vld.idx.msk [tilespmem:v5+s21+$0x0], $0xffff;
	v30 =	vmul.f32 v31, v30  }
0xae: {  	v36 =	vld [tilespmem:s16+$0xFFFFFFA0];
	v27 =	vmul.f32 v27, v28;
	v29 =	vadd.f32 $0.0e+00, v29  }
0xaf: {  	v61 =	vld [tilespmem:s16+$0xFFFFFFB0];
	v25 =	vmul.f32 v25, v28;
	v28 =	vadd.f32 $0.0e+00, v30  }
0xb0: {  	v62 =	vld.idx.msk [tilespmem:v9+s21+$0x0], $0xffff;
	v22 =	vmul.f32 v22, v26;
	v27 =	vadd.f32 v27, v29  }
0xb1: {  	v20 =	vmul.f32 v20, v26;
	v26 =	vld [tilespmem:s16+$0xFFFFFFD0];
	v25 =	vadd.f32 v25, v28  }
0xb2: {  	v19 =	vmul.f32 v19, v21;
	v17 =	vmul.f32 v17, v21;
	v21 =	vld [tilespmem:s16+$0xFFFFFFF0];
	v22 =	vadd.f32 v22, v27  }
0xb3: {  	v29 =	vld [tilespmem:s16+$0xFFFFFFC0];
	v20 =	vadd.f32 v20, v25  }
0xb4: {  	v16 =	vmul.f32 v16, v24;
	v27 =	vld [tilespmem:s16+$0xFFFFFFE0];
	v19 =	vadd.f32 v19, v22  }
0xb5: {  	v24 =	vmul.f32 v35, v24;
	v25 =	vld [tilespmem:s16+$0x10];
	v17 =	vadd.f32 v17, v20  }
0xb6: {  	v22 =	vld [tilespmem:s16+$0x0];
	v20 =	vmul.f32 v61, v60;
	v16 =	vadd.f32 v16, v19  }
0xb7: {  	v28 =	vmul.f32 v36, v60;
	v19 =	vld [tilespmem:s16+$0x20];
	v17 =	vadd.f32 v24, v17  }
0xb8: {  	v26 =	vmul.f32 v26, v34;
	v24 =	vld [tilespmem:s16+$0x30];
	v16 =	vadd.f32 v20, v16  }
0xb9: {  	v20 =	vmul.f32 v29, v34;
	v17 =	vadd.f32 v28, v17;
	v28 =	vld [tilespmem:s16+$0x40]  }
0xba: {  	v21 =	vmul.f32 v21, v33;
	v26 =	vadd.f32 v26, v16;
	v16 =	vld.idx.msk [tilespmem:v10+s21+$0x0], $0xffff  }
0xbb: {  	v27 =	vmul.f32 v27, v33;
	v63 =	vmul.f32 v25, v32;
	v29 =	vadd.f32 v20, v17;
	v17 =	vld [tilespmem:s16+$0x60]  }
0xbc: {  	v20 =	vmul.f32 v22, v32;
	v22 =	vld [tilespmem:s16+$0x70];
	v19 =	vmul.f32 v19, v18;
	v21 =	vadd.f32 v21, v26  }
0xbd: {  	s28 =	simm.s32 $0x17110;
	v25 =	vmul.f32 v24, v18;
	v18 =	vld [tilespmem:s16+$0x80];
	v24 =	vmul.f32 v23, v62  }
0xbe: {  	s29 =	simm.s32 $0x1;
	s18 =	simm.s32 $0x17110;
	s10 =	simm.s32 $0x7200;
	v23 =	vld [tilespmem:s16+$0x90];
	v26 =	vadd.f32 v27, v29;
	v27 =	vadd.f32 v63, v21;
	v21 =	vmul.f32 v28, v62  }
.LBB2_9:
0xbf: {  	v28 =	vld.idx.msk [tilespmem:v12+s21+$0x0], $0xffff;
	s14 =	sadd.s32 $0x10, s14;
	s28 =	sadd.s32 $0x20, s28;
	s16 =	sadd.s32 $0x200, s16  }
0xc0: {  	p0 =	sne.s32 s29, $0x3F;
	v20 =	vadd.f32 v20, v26;
	s30 =	smov.u32 s29;
	s29 =	sadd.s32 $0x1, s29;
	v25 =	vadd.f32 v25, v27;
	v17 =	vmul.f32 v17, v16;
	v26 =	vld [tilespmem:s10+$0xA0]  }
0xc1: {  	v16 =	vmul.f32 v22, v16;
	v22 =	vld [tilespmem:s10+$0xB0]  }
0xc2: {  	v19 =	vadd.f32 v19, v20;
	v20 =	vadd.f32 v24, v25;
	v18 =	vmul.f32 v18, v15;
	v24 =	vld.idx.msk [tilespmem:v13+s21+$0x0], $0xffff  }
0xc3: {  	v15 =	vmul.f32 v23, v15;
	v23 =	vld [tilespmem:s10+$0xC0]  }
0xc4: {  	v19 =	vadd.f32 v21, v19;
	v16 =	vadd.f32 v16, v20;
	v20 =	vld [tilespmem:s10+$0xD0]  }
0xc5: {  	v21 =	vmul.f32 v26, v28;
	v25 =	vld.idx.msk [tilespmem:v14+s21+$0x0], $0xffff  }
0xc6: {  	v17 =	vadd.f32 v17, v19;
	v15 =	vadd.f32 v15, v16;
	v16 =	vmul.f32 v22, v28;
	v19 =	vld [tilespmem:s10+$0xF0]  }
0xc7: {  	v22 =	vld [tilespmem:s10+$0xE0];
	s10 =	smov.u32 s16  }
0xc8: {  	v17 =	vadd.f32 v18, v17;
	v15 =	vadd.f32 v16, v15;
	v16 =	vmul.f32 v23, v24  }
0xc9: {  	v18 =	vmul.f32 v20, v24  }
0xca: {  	v17 =	vadd.f32 v21, v17  }
0xcb: {  	v15 =	vadd.f32 v18, v15;
	v18 =	vmul.f32 v19, v25  }
0xcc: {  	v16 =	vadd.f32 v16, v17;
	v17 =	vmul.f32 v22, v25  }
0xcd: {  	v15 =	vadd.f32 v18, v15  }
0xce: {  	v16 =	vadd.f32 v17, v16  }
0xcf: {  	[tilespmem:s18+$0x0] =	vst v15  }
0xd0: {  	[tilespmem:s18+$0xFFFFFFF0] =	vst v16;
	s18 =	smov.u32 s28  }
0xd1: {  	v15 =	vld [tilespmem:s14+$0x0];
	_ =	sdelay $0x2  }
0xd2: {  	s30 =	sshrl.u32 s30, $0x4  }
0xd3: {  	s30 =	sadd.s32 s13, s30  }
0xd4: {  	s30 =	sshll.u32 s30, $0x5;
	v16 =	vand.u32 $0xFFFFFFF8, v15  }
0xd5: {  	v15 =	vand.u32 $0x7, v15;
	v16 =	vadd.s32 s30, v16  }
0xd6: {  	v15 =	vor.u32 v15, v16;
	_ =	sdelay $0x4  }
0xd7: {  	v15 =	vld.idx.msk [tilespmem:v15+s20+$0x0], $0xffff;
	_ =	sdelay $0x5  }
0xd8: {  	(xrf0) =	vmax.scan.msk.f32 $0xffff, v15;
	_ =	sdelay $0x5  }
0xd9: {  	v16, _, _ =	vpop (xrf0)  }
0xda: {  	v16 =	vbroadcast v16, $0xF;
	_ =	sdelay $0x1  }
0xdb: {  	v15 =	vsub.f32 v15, v16;
	_ =	sdelay $0x1  }
0xdc: {  	v15 =	vmul.f32 $1.442695020e+00, v15;
	_ =	sdelay $0x1  }
0xdd: {  	(erf) = vpow2.f32 v15;
	_ =	sdelay $0x8  }
0xde: {  	v15 =	vpop (erf)  }
0xdf: {  	(xrf2) =	vadd.scan.msk.f32 $0xffff, v15;
	_ =	sdelay $0x9  }
0xe0: {  	v16, _, _ =	vpop (xrf2)  }
0xe1: {  	v16 =	vbroadcast v16, $0xF;
	_ =	sdelay $0x1  }
0xe2: {  	(erf) = vrcp.f32 v16;
	_ =	sdelay $0x8  }
0xe3: {  	v16 =	vpop (erf)  }
0xe4: {  	v15 =	vmul.f32 v16, v15;
	_ =	sdelay $0x1  }
0xe5: {  	[tilespmem:$0x18100] =	vst v15  }
0xe6: {  	v18 =	vld.idx.msk [tilespmem:v8+s21+$0x0], $0xffff  }
0xe7: {  	v23 =	vld [tilespmem:s16+$0x50]  }
0xe8: {  	v15 =	vld.idx.msk [tilespmem:v11+s21+$0x0], $0xffff  }
0xe9: {  	v16 =	vld [tilespmem:s16+$0xFFFFFF90]  }
0xea: {  	v17 =	vld [tilespmem:s16+$0xFFFFFF60]  }
0xeb: {  	v19 =	vld [tilespmem:s16+$0xFFFFFF70]  }
0xec: {  	v20 =	vld [tilespmem:s16+$0xFFFFFF40]  }
0xed: {  	v21 =	vld.idx.msk [tilespmem:v3+s21+$0x0], $0xffff  }
0xee: {  	v22 =	vld [tilespmem:s16+$0xFFFFFF50]  }
0xef: {  	v24 =	vld.idx.msk [tilespmem:v4+s21+$0x0], $0xffff  }
0xf0: {  	v25 =	vld [tilespmem:s16+$0xFFFFFF20]  }
0xf1: {  	v26 =	vld.idx.msk [tilespmem:v2+s21+$0x0], $0xffff  }
0xf2: {  	v27 =	vld [tilespmem:s16+$0xFFFFFF30]  }
0xf3: {  	v28 =	vld.idx.msk [tilespmem:v1+s21+$0x0], $0xffff  }
0xf4: {  	v29 =	vld [tilespmem:s16+$0xFFFFFF10]  }
0xf5: {  	v19 =	vmul.f32 v19, v21;
	v30 =	vld.msk [tilespmem:s21+$0x0], $0xffff  }
0xf6: {  	v17 =	vmul.f32 v17, v21;
	v31 =	vld [tilespmem:s16+$0xFFFFFF00]  }
0xf7: {  	v16 =	vmul.f32 v16, v24;
	v21 =	vmul.f32 v22, v26;
	v22 =	vld.idx.msk [tilespmem:v7+s21+$0x0], $0xffff  }
0xf8: {  	v20 =	vmul.f32 v20, v26;
	v26 =	vld.idx.msk [tilespmem:v0+s21+$0x0], $0xffff  }
0xf9: {  	v27 =	vmul.f32 v27, v28;
	v32 =	vld.idx.msk [tilespmem:v6+s21+$0x0], $0xffff  }
0xfa: {  	v25 =	vmul.f32 v25, v28;
	v29 =	vmul.f32 v29, v30;
	v28 =	vld [tilespmem:s16+$0xFFFFFF80]  }
0xfb: {  	v30 =	vmul.f32 v31, v30;
	v31 =	vld.idx.msk [tilespmem:v5+s21+$0x0], $0xffff  }
0xfc: {  	v29 =	vadd.f32 $0.0e+00, v29;
	v33 =	vld [tilespmem:s16+$0xFFFFFFA0]  }
0xfd: {  	v30 =	vadd.f32 $0.0e+00, v30;
	v34 =	vld [tilespmem:s16+$0xFFFFFFB0]  }
0xfe: {  	v27 =	vadd.f32 v27, v29;
	v29 =	vld [tilespmem:s16+$0xFFFFFFC0]  }
0xff: {  	v25 =	vadd.f32 v25, v30;
	v24 =	vmul.f32 v28, v24;
	v28 =	vld [tilespmem:s16+$0xFFFFFFD0]  }
0x100: {  	v21 =	vadd.f32 v21, v27;
	v27 =	vld [tilespmem:s16+$0xFFFFFFE0]  }
0x101: {  	v20 =	vadd.f32 v20, v25;
	v25 =	vmul.f32 v33, v31;
	v30 =	vld [tilespmem:s16+$0xFFFFFFF0]  }
0x102: {  	v19 =	vadd.f32 v19, v21;
	v21 =	vmul.f32 v34, v31;
	v31 =	vld [tilespmem:s16+$0x0]  }
0x103: {  	v17 =	vadd.f32 v17, v20;
	v29 =	vmul.f32 v29, v32;
	v33 =	vld [tilespmem:s16+$0x10]  }
0x104: {  	v16 =	vadd.f32 v16, v19;
	v19 =	vmul.f32 v28, v32;
	v28 =	vld [tilespmem:s16+$0x20]  }
0x105: {  	v17 =	vadd.f32 v24, v17;
	v24 =	vmul.f32 v27, v26;
	v27 =	vld [tilespmem:s16+$0x30]  }
0x106: {  	v16 =	vadd.f32 v21, v16;
	v21 =	vmul.f32 v30, v26;
	v30 =	vld.idx.msk [tilespmem:v9+s21+$0x0], $0xffff  }
0x107: {  	v17 =	vadd.f32 v25, v17;
	v20 =	vmul.f32 v31, v22;
	v31 =	vld [tilespmem:s16+$0x40]  }
.Ltmp3:
0x108: {  	v25 =	vadd.f32 v19, v16;
	v32 =	vmul.f32 v33, v22;
	v16 =	vld.idx.msk [tilespmem:v10+s21+$0x0], $0xffff;
	(pc) =	sbr.rel @p0 .LBB2_9-.Ltmp3, $4  }
0x109: {  	v26 =	vadd.f32 v29, v17;
	v19 =	vmul.f32 v28, v18;
	v17 =	vld [tilespmem:s16+$0x60]  }
0x10a: {  	v21 =	vadd.f32 v21, v25;
	v25 =	vmul.f32 v27, v18;
	v22 =	vld [tilespmem:s16+$0x70]  }
0x10b: {  	v26 =	vadd.f32 v24, v26;
	v18 =	vld [tilespmem:s16+$0x80]  }
0x10c: {  	v24 =	vmul.f32 v23, v30;
	v27 =	vadd.f32 v32, v21;
	v21 =	vmul.f32 v31, v30;
	v23 =	vld [tilespmem:s16+$0x90]  }
0x10d: {  	_ =	sdelay $0x3  }
0x10e: {  	v28 =	vld.idx.msk [tilespmem:v12+s21+$0x0], $0xffff  }
0x10f: {  	v20 =	vadd.f32 v20, v26;
	v26 =	vld [tilespmem:s10+$0xA0]  }
0x110: {  	v25 =	vadd.f32 v25, v27;
	v27 =	vld [tilespmem:s10+$0xB0]  }
0x111: {  	v19 =	vadd.f32 v19, v20;
	v20 =	vld.idx.msk [tilespmem:v13+s21+$0x0], $0xffff  }
0x112: {  	v22 =	vmul.f32 v22, v16;
	v24 =	vadd.f32 v24, v25;
	v25 =	vld [tilespmem:s10+$0xC0]  }
0x113: {  	v16 =	vmul.f32 v17, v16;
	v17 =	vadd.f32 v21, v19;
	v19 =	vld [tilespmem:s10+$0xD0]  }
0x114: {  	v21 =	vmul.f32 v23, v15;
	v23 =	vld.idx.msk [tilespmem:v14+s21+$0x0], $0xffff;
	v22 =	vadd.f32 v22, v24  }
0x115: {  	v15 =	vmul.f32 v18, v15;
	v16 =	vadd.f32 v16, v17;
	v17 =	vld [tilespmem:s10+$0xF0]  }
0x116: {  	v18 =	vadd.f32 v21, v22;
	v21 =	vmul.f32 v27, v28;
	v22 =	vld [tilespmem:s10+$0xE0]  }
0x117: {  	v24 =	vmul.f32 v26, v28;
	v15 =	vadd.f32 v15, v16  }
0x118: {  	v16 =	vadd.f32 v21, v18;
	v18 =	vmul.f32 v19, v20  }
0x119: {  	v19 =	vmul.f32 v25, v20;
	v15 =	vadd.f32 v24, v15  }
0x11a: {  	v16 =	vadd.f32 v18, v16;
	v17 =	vmul.f32 v17, v23  }
0x11b: {  	v15 =	vadd.f32 v19, v15;
	v18 =	vmul.f32 v22, v23  }
0x11c: {  	v16 =	vadd.f32 v17, v16  }
0x11d: {  	v15 =	vadd.f32 v18, v15  }
0x11e: {  	[tilespmem:s18+$0x0] =	vst v16  }
0x11f: {  	[tilespmem:s18+$0xFFFFFFF0] =	vst v15  }
0x120: {  	_ =	swait.ge [sflag:s24], $0x8000  }
0x121: {  	[sflag:s24] =	ssyncset.done $0x0  }
0x122: {  	s14 =	simm.s32 $0x6500;
	[sflag:s24] =	ssyncadd.s32 $0xFFFF8000  }
0x123: {  	v15 =	vld [tilespmem:s14+$0x0];
	_ =	sdelay $0x3  }
0x124: {  	s30 =	sadd.s32 $0x4, s13  }
0x125: {  	s10 =	sshll.u32 s30, $0x5;
	v16 =	vand.u32 $0xFFFFFFF8, v15  }
0x126: {  	v15 =	vand.u32 $0x7, v15;
	v16 =	vadd.s32 s10, v16  }
0x127: {  	v15 =	vor.u32 v15, v16;
	_ =	sdelay $0x4  }
0x128: {  	v15 =	vld.idx.msk [tilespmem:v15+s20+$0x0], $0xffff;
	_ =	sdelay $0x4  }
0x129: {  	(xrf0) =	vmax.scan.msk.f32 $0xffff, v15;
	_ =	sdelay $0x5  }
0x12a: {  	v16, _, _ =	vpop (xrf0)  }
0x12b: {  	v16 =	vbroadcast v16, $0xF;
	_ =	sdelay $0x1  }
0x12c: {  	v15 =	vsub.f32 v15, v16;
	_ =	sdelay $0x1  }
0x12d: {  	v15 =	vmul.f32 $1.442695020e+00, v15;
	_ =	sdelay $0x1  }
0x12e: {  	(erf) = vpow2.f32 v15;
	_ =	sdelay $0x8  }
0x12f: {  	v15 =	vpop (erf)  }
0x130: {  	(xrf2) =	vadd.scan.msk.f32 $0xffff, v15;
	_ =	sdelay $0x9  }
0x131: {  	v16, _, _ =	vpop (xrf2)  }
0x132: {  	v16 =	vbroadcast v16, $0xF;
	_ =	sdelay $0x1  }
0x133: {  	(erf) = vrcp.f32 v16;
	_ =	sdelay $0x8  }
0x134: {  	v16 =	vpop (erf)  }
0x135: {  	v15 =	vmul.f32 v16, v15;
	_ =	sdelay $0x1  }
0x136: {  	[tilespmem:$0x18100] =	vst v15  }
0x137: {  	s29 =	simm.s32 $0x0;
	v18 =	vld.idx.msk [tilespmem:v8+s21+$0x0], $0xffff  }
0x138: {  	v23 =	vld [tilespmem:s29+$0xF250]  }
0x139: {  	v15 =	vld.idx.msk [tilespmem:v11+s21+$0x0], $0xffff  }
0x13a: {  	v16 =	vld [tilespmem:s29+$0xF190]  }
0x13b: {  	v17 =	vld [tilespmem:s29+$0xF160]  }
0x13c: {  	v19 =	vld [tilespmem:s29+$0xF170]  }
0x13d: {  	v20 =	vld [tilespmem:s29+$0xF140]  }
0x13e: {  	v21 =	vld.idx.msk [tilespmem:v3+s21+$0x0], $0xffff  }
0x13f: {  	v22 =	vld [tilespmem:s29+$0xF150]  }
0x140: {  	v24 =	vld.idx.msk [tilespmem:v4+s21+$0x0], $0xffff  }
0x141: {  	v25 =	vld [tilespmem:s29+$0xF120]  }
0x142: {  	v26 =	vld.idx.msk [tilespmem:v2+s21+$0x0], $0xffff  }
0x143: {  	v27 =	vld [tilespmem:s29+$0xF130]  }
0x144: {  	v28 =	vld.idx.msk [tilespmem:v1+s21+$0x0], $0xffff  }
0x145: {  	v29 =	vld [tilespmem:s29+$0xF110]  }
0x146: {  	v30 =	vld.msk [tilespmem:s21+$0x0], $0xffff  }
0x147: {  	v31 =	vld [tilespmem:s29+$0xF100]  }
0x148: {  	v32 =	vld.idx.msk [tilespmem:v7+s21+$0x0], $0xffff  }
0x149: {  	v33 =	vld.idx.msk [tilespmem:v0+s21+$0x0], $0xffff  }
0x14a: {  	v34 =	vld.idx.msk [tilespmem:v6+s21+$0x0], $0xffff  }
0x14b: {  	v35 =	vld [tilespmem:s29+$0xF180];
	v29 =	vmul.f32 v29, v30  }
0x14c: {  	v61 =	vld.idx.msk [tilespmem:v5+s21+$0x0], $0xffff;
	v30 =	vmul.f32 v31, v30  }
0x14d: {  	v36 =	vld [tilespmem:s29+$0xF1A0];
	v27 =	vmul.f32 v27, v28;
	v29 =	vadd.f32 $0.0e+00, v29  }
0x14e: {  	v62 =	vld [tilespmem:s29+$0xF1B0];
	v25 =	vmul.f32 v25, v28;
	v28 =	vadd.f32 $0.0e+00, v30  }
0x14f: {  	v63 =	vld.idx.msk [tilespmem:v9+s21+$0x0], $0xffff;
	v22 =	vmul.f32 v22, v26;
	v27 =	vadd.f32 v27, v29  }
0x150: {  	v20 =	vmul.f32 v20, v26;
	v26 =	vld [tilespmem:s29+$0xF1D0];
	v25 =	vadd.f32 v25, v28  }
0x151: {  	v19 =	vmul.f32 v19, v21;
	v17 =	vmul.f32 v17, v21;
	v21 =	vld [tilespmem:s29+$0xF1F0];
	v22 =	vadd.f32 v22, v27  }
0x152: {  	v29 =	vld [tilespmem:s29+$0xF1C0];
	v20 =	vadd.f32 v20, v25  }
0x153: {  	v16 =	vmul.f32 v16, v24;
	v27 =	vld [tilespmem:s29+$0xF1E0];
	v19 =	vadd.f32 v19, v22  }
0x154: {  	v24 =	vmul.f32 v35, v24;
	v25 =	vld [tilespmem:s29+$0xF210];
	v17 =	vadd.f32 v17, v20  }
0x155: {  	v22 =	vld [tilespmem:s29+$0xF200];
	v20 =	vmul.f32 v62, v61;
	v16 =	vadd.f32 v16, v19  }
0x156: {  	v28 =	vmul.f32 v36, v61;
	v19 =	vld [tilespmem:s29+$0xF220];
	v17 =	vadd.f32 v24, v17  }
0x157: {  	v26 =	vmul.f32 v26, v34;
	v24 =	vld [tilespmem:s29+$0xF230];
	v16 =	vadd.f32 v20, v16  }
0x158: {  	v20 =	vmul.f32 v29, v34;
	v17 =	vadd.f32 v28, v17;
	v28 =	vld [tilespmem:s29+$0xF240]  }
0x159: {  	v21 =	vmul.f32 v21, v33;
	v26 =	vadd.f32 v26, v16;
	v16 =	vld.idx.msk [tilespmem:v10+s21+$0x0], $0xffff  }
0x15a: {  	v27 =	vmul.f32 v27, v33;
	v29 =	vadd.f32 v20, v17;
	v17 =	vld [tilespmem:s29+$0xF260]  }
0x15b: {  	v20 =	vmul.f32 v22, v32;
	v22 =	vmul.f32 v25, v32;
	v25 =	vadd.f32 v21, v26;
	v21 =	vld [tilespmem:s29+$0xF270]  }
0x15c: {  	s28 =	simm.s32 $0x800;
	v19 =	vmul.f32 v19, v18;
	v24 =	vmul.f32 v24, v18;
	v18 =	vld [tilespmem:s29+$0xF280];
	v26 =	vadd.f32 v27, v29  }
0x15d: {  	s16 =	simm.s32 $0x17910;
	s18 =	simm.s32 $0x17910;
	s10 =	simm.s32 $0x40;
	v27 =	vadd.f32 v22, v25;
	v22 =	vmul.f32 v28, v63;
	v25 =	vmul.f32 v23, v63;
	v23 =	vld [tilespmem:s29+$0xF290]  }
.LBB2_11:
0x15e: {  	v28 =	vld.idx.msk [tilespmem:v12+s21+$0x0], $0xffff;
	s10 =	sadd.s32 $0x1, s10;
	s14 =	sadd.s32 $0x10, s14;
	s18 =	sadd.s32 $0x20, s18  }
0x15f: {  	p0 =	sne.s32 s28, $0x1F800;
	v20 =	vadd.f32 v20, v26;
	s30 =	smov.u32 s28;
	s28 =	sadd.s32 $0x800, s28;
	v24 =	vadd.f32 v24, v27;
	v17 =	vmul.f32 v17, v16;
	v26 =	vld [tilespmem:s29+$0xF2A0]  }
0x160: {  	v16 =	vmul.f32 v21, v16;
	v21 =	vld [tilespmem:s29+$0xF2B0]  }
0x161: {  	v19 =	vadd.f32 v19, v20;
	v20 =	vadd.f32 v25, v24;
	v18 =	vmul.f32 v18, v15;
	v24 =	vld.idx.msk [tilespmem:v13+s21+$0x0], $0xffff  }
0x162: {  	v15 =	vmul.f32 v23, v15;
	v23 =	vld [tilespmem:s29+$0xF2C0]  }
0x163: {  	v19 =	vadd.f32 v22, v19;
	v16 =	vadd.f32 v16, v20;
	v20 =	vld [tilespmem:s29+$0xF2D0]  }
0x164: {  	v22 =	vmul.f32 v26, v28;
	v25 =	vld.idx.msk [tilespmem:v14+s21+$0x0], $0xffff  }
0x165: {  	v17 =	vadd.f32 v17, v19;
	v15 =	vadd.f32 v15, v16;
	v16 =	vmul.f32 v21, v28;
	v19 =	vld [tilespmem:s29+$0xF2F0]  }
0x166: {  	v21 =	vld [tilespmem:s29+$0xF2E0]  }
0x167: {  	v17 =	vadd.f32 v18, v17;
	v18 =	vmul.f32 v23, v24  }
0x168: {  	v15 =	vadd.f32 v16, v15;
	v16 =	vmul.f32 v20, v24  }
0x169: {  	v17 =	vadd.f32 v22, v17  }
0x16a: {  	v15 =	vadd.f32 v16, v15;
	v16 =	vmul.f32 v19, v25  }
0x16b: {  	v17 =	vadd.f32 v18, v17;
	v18 =	vmul.f32 v21, v25  }
0x16c: {  	v15 =	vadd.f32 v16, v15  }
0x16d: {  	v16 =	vadd.f32 v18, v17  }
0x16e: {  	[tilespmem:s16+$0x0] =	vst v15  }
0x16f: {  	[tilespmem:s16+$0xFFFFFFF0] =	vst v16;
	s16 =	smov.u32 s18  }
0x170: {  	v15 =	vld [tilespmem:s14+$0x0];
	_ =	sdelay $0x2  }
0x171: {  	s29 =	sshrl.u32 s10, $0x4  }
0x172: {  	s29 =	sadd.s32 s13, s29  }
0x173: {  	s29 =	sshll.u32 s29, $0x5;
	v16 =	vand.u32 $0xFFFFFFF8, v15  }
0x174: {  	v15 =	vand.u32 $0x7, v15;
	v16 =	vadd.s32 s29, v16  }
0x175: {  	v15 =	vor.u32 v15, v16;
	_ =	sdelay $0x4  }
0x176: {  	v15 =	vld.idx.msk [tilespmem:v15+s20+$0x0], $0xffff;
	_ =	sdelay $0x5  }
0x177: {  	(xrf0) =	vmax.scan.msk.f32 $0xffff, v15;
	_ =	sdelay $0x5  }
0x178: {  	v16, _, _ =	vpop (xrf0)  }
0x179: {  	v16 =	vbroadcast v16, $0xF;
	_ =	sdelay $0x1  }
0x17a: {  	v15 =	vsub.f32 v15, v16;
	_ =	sdelay $0x1  }
0x17b: {  	v15 =	vmul.f32 $1.442695020e+00, v15;
	_ =	sdelay $0x1  }
0x17c: {  	(erf) = vpow2.f32 v15;
	_ =	sdelay $0x8  }
0x17d: {  	v15 =	vpop (erf)  }
0x17e: {  	(xrf2) =	vadd.scan.msk.f32 $0xffff, v15;
	_ =	sdelay $0x9  }
0x17f: {  	v16, _, _ =	vpop (xrf2)  }
0x180: {  	v16 =	vbroadcast v16, $0xF;
	_ =	sdelay $0x1  }
0x181: {  	(erf) = vrcp.f32 v16;
	_ =	sdelay $0x8  }
0x182: {  	v16 =	vpop (erf)  }
0x183: {  	v15 =	vmul.f32 v16, v15;
	_ =	sdelay $0x1  }
0x184: {  	[tilespmem:$0x18100] =	vst v15  }
0x185: {  	s29 =	sshra.s32 s30, $0x2;
	v18 =	vld.idx.msk [tilespmem:v8+s21+$0x0], $0xffff  }
0x186: {  	v23 =	vld [tilespmem:s29+$0xF250]  }
0x187: {  	v15 =	vld.idx.msk [tilespmem:v11+s21+$0x0], $0xffff  }
0x188: {  	v16 =	vld [tilespmem:s29+$0xF190]  }
0x189: {  	v17 =	vld [tilespmem:s29+$0xF160]  }
0x18a: {  	v19 =	vld [tilespmem:s29+$0xF170]  }
0x18b: {  	v20 =	vld [tilespmem:s29+$0xF140]  }
0x18c: {  	v21 =	vld.idx.msk [tilespmem:v3+s21+$0x0], $0xffff  }
0x18d: {  	v22 =	vld [tilespmem:s29+$0xF150]  }
0x18e: {  	v24 =	vld.idx.msk [tilespmem:v4+s21+$0x0], $0xffff  }
0x18f: {  	v25 =	vld [tilespmem:s29+$0xF120]  }
0x190: {  	v26 =	vld.idx.msk [tilespmem:v2+s21+$0x0], $0xffff  }
0x191: {  	v27 =	vld [tilespmem:s29+$0xF130]  }
0x192: {  	v28 =	vld.idx.msk [tilespmem:v1+s21+$0x0], $0xffff  }
0x193: {  	v29 =	vld [tilespmem:s29+$0xF110]  }
0x194: {  	v19 =	vmul.f32 v19, v21;
	v30 =	vld.msk [tilespmem:s21+$0x0], $0xffff  }
0x195: {  	v17 =	vmul.f32 v17, v21;
	v31 =	vld [tilespmem:s29+$0xF100]  }
0x196: {  	v16 =	vmul.f32 v16, v24;
	v21 =	vmul.f32 v22, v26;
	v22 =	vld.idx.msk [tilespmem:v7+s21+$0x0], $0xffff  }
0x197: {  	v20 =	vmul.f32 v20, v26;
	v26 =	vld.idx.msk [tilespmem:v0+s21+$0x0], $0xffff  }
0x198: {  	v27 =	vmul.f32 v27, v28;
	v32 =	vld.idx.msk [tilespmem:v6+s21+$0x0], $0xffff  }
0x199: {  	v25 =	vmul.f32 v25, v28;
	v29 =	vmul.f32 v29, v30;
	v28 =	vld [tilespmem:s29+$0xF180]  }
0x19a: {  	v30 =	vmul.f32 v31, v30;
	v31 =	vld.idx.msk [tilespmem:v5+s21+$0x0], $0xffff  }
0x19b: {  	v29 =	vadd.f32 $0.0e+00, v29;
	v33 =	vld [tilespmem:s29+$0xF1A0]  }
0x19c: {  	v30 =	vadd.f32 $0.0e+00, v30;
	v34 =	vld [tilespmem:s29+$0xF1B0]  }
0x19d: {  	v27 =	vadd.f32 v27, v29;
	v29 =	vld [tilespmem:s29+$0xF1C0]  }
0x19e: {  	v25 =	vadd.f32 v25, v30;
	v24 =	vmul.f32 v28, v24;
	v28 =	vld [tilespmem:s29+$0xF1D0]  }
0x19f: {  	v21 =	vadd.f32 v21, v27;
	v27 =	vld [tilespmem:s29+$0xF1E0]  }
0x1a0: {  	v20 =	vadd.f32 v20, v25;
	v25 =	vmul.f32 v33, v31;
	v30 =	vld [tilespmem:s29+$0xF1F0]  }
0x1a1: {  	v19 =	vadd.f32 v19, v21;
	v21 =	vmul.f32 v34, v31;
	v31 =	vld [tilespmem:s29+$0xF200]  }
0x1a2: {  	v17 =	vadd.f32 v17, v20;
	v29 =	vmul.f32 v29, v32;
	v33 =	vld [tilespmem:s29+$0xF210]  }
0x1a3: {  	v16 =	vadd.f32 v16, v19;
	v19 =	vmul.f32 v28, v32;
	v28 =	vld [tilespmem:s29+$0xF220]  }
0x1a4: {  	v17 =	vadd.f32 v24, v17;
	v27 =	vmul.f32 v27, v26;
	v24 =	vld [tilespmem:s29+$0xF230]  }
0x1a5: {  	v16 =	vadd.f32 v21, v16;
	v21 =	vmul.f32 v30, v26;
	v30 =	vld.idx.msk [tilespmem:v9+s21+$0x0], $0xffff  }
0x1a6: {  	v17 =	vadd.f32 v25, v17;
	v20 =	vmul.f32 v31, v22;
	v25 =	vld [tilespmem:s29+$0xF240]  }
.Ltmp4:
0x1a7: {  	v26 =	vadd.f32 v19, v16;
	v22 =	vmul.f32 v33, v22;
	v16 =	vld.idx.msk [tilespmem:v10+s21+$0x0], $0xffff;
	(pc) =	sbr.rel @p0 .LBB2_11-.Ltmp4, $4  }
0x1a8: {  	v29 =	vadd.f32 v29, v17;
	v19 =	vmul.f32 v28, v18;
	v17 =	vld [tilespmem:s29+$0xF260]  }
0x1a9: {  	v28 =	vadd.f32 v21, v26;
	v24 =	vmul.f32 v24, v18;
	v21 =	vld [tilespmem:s29+$0xF270]  }
0x1aa: {  	v26 =	vadd.f32 v27, v29;
	v18 =	vld [tilespmem:s29+$0xF280]  }
0x1ab: {  	v27 =	vadd.f32 v22, v28;
	v22 =	vmul.f32 v25, v30;
	v25 =	vmul.f32 v23, v30;
	v23 =	vld [tilespmem:s29+$0xF290]  }
0x1ac: {  	_ =	sdelay $0x3  }
0x1ad: {  	v28 =	vld.idx.msk [tilespmem:v12+s21+$0x0], $0xffff  }
0x1ae: {  	v20 =	vadd.f32 v20, v26;
	v46 =	vld [tilespmem:s29+$0xF2A0]  }
0x1af: {  	v47 =	vld [tilespmem:s29+$0xF2B0];
	v24 =	vadd.f32 v24, v27  }
0x1b0: {  	v48 =	vld.idx.msk [tilespmem:v13+s21+$0x0], $0xffff;
	v19 =	vadd.f32 v19, v20  }
0x1b1: {  	v49 =	vld [tilespmem:s29+$0xF2C0];
	v21 =	vmul.f32 v21, v16;
	v24 =	vadd.f32 v25, v24  }
0x1b2: {  	v52 =	vld [tilespmem:s29+$0xF2D0];
	v50 =	vmul.f32 v17, v16;
	v51 =	vadd.f32 v22, v19  }
0x1b3: {  	v54 =	vld.idx.msk [tilespmem:v14+s21+$0x0], $0xffff;
	v53 =	vmul.f32 v23, v15;
	v21 =	vadd.f32 v21, v24  }
0x1b4: {  	v55 =	vld [tilespmem:s29+$0xF2F0];
	v15 =	vmul.f32 v18, v15;
	v16 =	vadd.f32 v50, v51  }
0x1b5: {  	v58 =	vld [tilespmem:s29+$0xF2E0];
	v57 =	vmul.f32 v47, v28;
	v56 =	vadd.f32 v53, v21  }
0x1b6: {  	v59 =	vmul.f32 v46, v28;
	v15 =	vadd.f32 v15, v16  }
0x1b7: {  	v61 =	vmul.f32 v52, v48;
	v60 =	vadd.f32 v57, v56  }
0x1b8: {  	v62 =	vmul.f32 v49, v48;
	v15 =	vadd.f32 v59, v15  }
0x1b9: {  	v17 =	vmul.f32 v55, v54;
	v16 =	vadd.f32 v61, v60  }
0x1ba: {  	v63 =	vmul.f32 v58, v54;
	v15 =	vadd.f32 v62, v15  }
0x1bb: {  	v16 =	vadd.f32 v17, v16  }
0x1bc: {  	s11 =	sadd.s32 $0x1, s11;
	v15 =	vadd.f32 v63, v15  }
0x1bd: {  	p0 =	sne.s32 s11, $0x10;
	[tilespmem:s16+$0x0] =	vst v16  }
.Ltmp5:
0x1be: {  	s10 =	sadd.s32 s9, s12;
	[tilespmem:s16+$0xFFFFFFF0] =	vst v15;
	(pc) =	sbr.rel @p0 .LBB2_4-.Ltmp5, $4  }
0x1bf: {  	[hbm4b:s10+s2] =	stream.linear.scatter [tilespmem:s23], [sflag:$0x2], $0x1000, $0x38;
	[tilespmem:$0x18110] =	vst v63  }
0x1c0: {  	_ =	swait.ge [sflag:s17], $0x1000  }
0x1c1: {  	[sflag:s17] =	ssyncset.done $0x0  }
0x1c2: {  	[sflag:s17] =	ssyncadd.s32 $0xFFFFF000  }
0x1c3: {  	s11 =	rddreg [dreg:$0xb]  }
0x1c4: {  	s10 =	rddreg [dreg:$0xa];
	s11 =	sadd.s32 $0x1, s11  }
0x1c5: {  	p0 =	sne.s32 s11, s10  }
.Ltmp6:
0x1c6: {  	_ = 	snop;
	(pc) =	sbr.rel @p0 .LBB2_1-.Ltmp6, $1  }
0x1c7: {  	_ =	sdelay $0x3  }
0x1c8: {  	_ =	sfence.sel $0x180000  }
0x1c9: {  	[bflag:$0x0] =	sbarrier.arrive $0xFFFF  }
0x1ca: {  	_ =	strace $0x90000047  }
0x1cb: {  	s0 =	stileid.u32;
	[bflag:$0x2] =	sbarrier.arrive $0xFFFF  }
0x1cc: {  	p0 =	sne.s32 s0, $0x0;
	s0 =	rddreg [dreg:$0x2]  }
0x1cd: {  	s0 =	sadd.s32 @!p0 $0x100000, s0  }
0x1ce: {  	[sflag:s0] =	ssyncadd.tile.s32 @!p0 $0x1;
	_ =	shalt  }
.Lfunc_end2:
_tile_overlayer_lowered:
.L_overlay_start_2:
0x1cf: {  	(tag) =	ssettag $0x2  }
0x1d0: {  	s0 =	rddreg [dreg:$0x0];
	s2 =	stileid.u32  }
0x1d1: {  	s1 =	rddreg [dreg:$0x1];
	p0 =	sne.s32 s2, $0x0  }
0x1d2: {  	s3 =	rddreg [dreg:$0x2];
	[bflag:$0x3] =	sbarrier.arrive $0xFFFF;
	s2 =	simm.s32 @!p0 $0x1C02  }
0x1d3: {  	[timem:s3], [sflag:s2] =	dma.local @!p0 [hbm:s0], s1  }
0x1d4: {  	s0 =	simm.s32 @!p0 $0x2  }
0x1d5: {  	_ =	swait.ge @!p0 [sflag:s0], s1  }
0x1d6: {  	s1 =	ssub.s32 @!p0 $0x0, s1;
	[sflag:s0] =	ssyncset.done @!p0 $0x0  }
0x1d7: {  	[sflag:s0] =	ssyncadd.s32 @!p0 s1  }
0x1d8: {  	[bflag:$0x3] =	sbarrier.arrive $0xFFFF  }
0x1d9: {  	_ =	shalt  }

</sc_bundles>
